<compile_context>
chip_gen: v7x
topology: tpu7x:2x2x1
jax: 0.10.2.dev20260603
libtpu: 0.0.44.dev20260713+nightly
codegen_flags: <defaults>
</compile_context>

<pallas_src>
import functools

import jax
import jax.numpy as jnp
import numpy as np
from jax import lax
from jax.experimental import pallas as pl
from jax.experimental.pallas import tpu as pltpu
from jax.experimental.pallas import tpu_sc as plsc

D = 128
S = 200
V = 100000
DW = D // 2
NC, NS, L = 2, 16, 16
NW = NC * NS

_ROWS_BLK = 2000

_PERM_LO = np.concatenate([np.arange(32 * j, 32 * j + 16) for j in range(4)])
_PERM_HI = _PERM_LO + 16


def _bf16_bits(f):
    b = lax.bitcast_convert_type(f.astype(jnp.bfloat16), jnp.uint16)
    return b.astype(jnp.uint32)


def _pack_bf16_pair(lo, hi):
    w = _bf16_bits(lo) | (_bf16_bits(hi) << 16)
    return lax.bitcast_convert_type(w, jnp.int32)


def _transform_body(keys_ref, vals_ref, fwa_ref, fwb_ref, ba_ref, bb_ref,
                    tkv_ref, c_ref):
    fwa = fwa_ref[...]
    fwb = fwb_ref[...]
    dn = (((1,), (1,)), ((), ()))
    mm = functools.partial(lax.dot_general, dimension_numbers=dn,
                           preferred_element_type=jnp.float32)
    keys = keys_ref[...]
    vals = vals_ref[...]
    pk = _pack_bf16_pair(mm(keys, fwa[:, :D]), mm(keys, fwb[:, :D]))
    pv = _pack_bf16_pair(mm(vals, fwa[:, :D]), mm(vals, fwb[:, :D]))
    tkv_ref[...] = jnp.concatenate([pk, pv], axis=1)

    @pl.when(pl.program_id(0) == 0)
    def _():
        row = lax.broadcasted_iota(jnp.int32, (S, S), 0)
        col = lax.broadcasted_iota(jnp.int32, (S, S), 1)
        eye = jnp.where(row == col, 1.0, 0.0)
        pc = _pack_bf16_pair(mm(eye, fwa[:, D:]) + ba_ref[...],
                             mm(eye, fwb[:, D:]) + bb_ref[...])
        c_ref[...] = jnp.concatenate([pc, pc], axis=1)


def _transform(keys_table, vals_table, fwa, fwb, ba2d, bb2d):
    grid = (V // _ROWS_BLK,)
    return pl.pallas_call(
        _transform_body,
        grid=grid,
        in_specs=[
            pl.BlockSpec((_ROWS_BLK, D), lambda i: (i, 0)),
            pl.BlockSpec((_ROWS_BLK, D), lambda i: (i, 0)),
            pl.BlockSpec((DW, D + S), lambda i: (0, 0)),
            pl.BlockSpec((DW, D + S), lambda i: (0, 0)),
            pl.BlockSpec((1, DW), lambda i: (0, 0)),
            pl.BlockSpec((1, DW), lambda i: (0, 0)),
        ],
        out_specs=[
            pl.BlockSpec((_ROWS_BLK, D), lambda i: (i, 0)),
            pl.BlockSpec((S, D), lambda i: (0, 0)),
        ],
        out_shape=[
            jax.ShapeDtypeStruct((V, D), jnp.int32),
            jax.ShapeDtypeStruct((S, D), jnp.int32),
        ],
    )(keys_table, vals_table, fwa, fwb, ba2d, bb2d)


def _gather_body(tkv_hbm, c_hbm, x_hbm, ko_hbm, vo_hbm,
                 idx0, idx1, rkv0, rkv1, c_v, stk, stv,
                 sg0, sg1, sws, rows_per_w):
    wid = lax.axis_index("s") * NC + lax.axis_index("c")
    base0 = wid * rows_per_w * S
    pltpu.sync_copy(c_hbm, c_v)

    idx = (idx0, idx1)
    rkv = (rkv0, rkv1)
    sg = (sg0, sg1)

    def start_gather(b, r_local):
        base = base0 + r_local * S
        pltpu.sync_copy(x_hbm.at[pl.ds(base, S)], idx[b])
        pltpu.async_copy(tkv_hbm.at[idx[b].at[pl.ds(0, 104)]],
                         rkv[b].at[pl.ds(0, 104)], sg[b])
        pltpu.async_copy(tkv_hbm.at[idx[b].at[pl.ds(104, 96)]],
                         rkv[b].at[pl.ds(104, 96)], sg[b])

    def wait_gathers(b):
        pltpu.make_async_copy(tkv_hbm.at[pl.ds(0, S)], rkv[b], sg[b]).wait()

    def wait_st_writes():
        pltpu.make_async_copy(stk, ko_hbm.at[pl.ds(0, S)], sws).wait()
        pltpu.make_async_copy(stv, vo_hbm.at[pl.ds(0, S)], sws).wait()

    start_gather(0, 0)

    def row_pair_body(p, carry):
        for b in (0, 1):
            r_local = 2 * p + b
            base = base0 + r_local * S

            @pl.when(r_local < rows_per_w - 1)
            def _():
                start_gather(1 - b, r_local + 1)

            wait_gathers(b)

            @pl.when(r_local >= 1)
            def _():
                wait_st_writes()

            def unpack2(w):
                lo = lax.bitcast_convert_type(w << 16, jnp.float32)
                hi = lax.bitcast_convert_type(
                    w & jnp.int32(-65536), jnp.float32)
                return lo, hi

            def add_body(s_i, c2):
                for j in range(D // 32):
                    ksl = pl.ds(16 * j, 16)
                    vsl = pl.ds(DW + 16 * j, 16)
                    ca, cb = unpack2(c_v[s_i, ksl])
                    ka, kb = unpack2(rkv[b][s_i, ksl])
                    va, vb = unpack2(rkv[b][s_i, vsl])
                    stk[s_i, pl.ds(32 * j, 16)] = ka + ca
                    stk[s_i, pl.ds(32 * j + 16, 16)] = kb + cb
                    stv[s_i, pl.ds(32 * j, 16)] = va + ca
                    stv[s_i, pl.ds(32 * j + 16, 16)] = vb + cb
                return c2
            lax.fori_loop(0, S, add_body, 0)

            pltpu.async_copy(stk, ko_hbm.at[pl.ds(base, S)], sws)
            pltpu.async_copy(stv, vo_hbm.at[pl.ds(base, S)], sws)
        return carry

    lax.fori_loop(0, rows_per_w // 2, row_pair_body, 0)
    wait_st_writes()


def _gather(tkv, c, xf):
    n_tok = xf.shape[0]
    rows_per_w = n_tok // S // NW
    mesh = plsc.VectorSubcoreMesh(core_axis_name="c", subcore_axis_name="s")
    return pl.kernel(
        functools.partial(_gather_body, rows_per_w=rows_per_w),
        out_type=[
            jax.ShapeDtypeStruct((n_tok, D), jnp.float32),
            jax.ShapeDtypeStruct((n_tok, D), jnp.float32),
        ],
        mesh=mesh,
        scratch_types=[
            pltpu.VMEM((S,), jnp.int32),
            pltpu.VMEM((S,), jnp.int32),
            pltpu.VMEM((S, D), jnp.int32),
            pltpu.VMEM((S, D), jnp.int32),
            pltpu.VMEM((S, D), jnp.int32),
            pltpu.VMEM((S, D), jnp.float32),
            pltpu.VMEM((S, D), jnp.float32),
            pltpu.SemaphoreType.DMA,
            pltpu.SemaphoreType.DMA,
            pltpu.SemaphoreType.DMA,
        ],
    )(tkv, c, xf)


def kernel(x, keys_table, vals_table, fuse_w, fuse_b):
    lo = jnp.asarray(_PERM_LO)
    hi = jnp.asarray(_PERM_HI)
    tkv, c = _transform(keys_table, vals_table,
                        fuse_w[lo, :], fuse_w[hi, :],
                        fuse_b[lo].reshape(1, DW), fuse_b[hi].reshape(1, DW))
    xf = x.reshape(-1).astype(jnp.int32)
    ko, vo = _gather(tkv, c, xf)
    b_sz, s_sz = x.shape
    return ko.reshape(b_sz, s_sz, D), vo.reshape(b_sz, s_sz, D)

# --- scband reference (transcript-rebuilt; emitter-appended) ---
"""Pipeline reference for scband-sequence-embedding-2628519985424 (READ-ONLY COPY).

The authoritative reference and input builder live on the scoring server;
editing this copy changes nothing except your own understanding.
"""

import jax, jax.numpy as jnp
import numpy as np

MODEL_SIZE = 200
MODEL_D = 128
VOCAB = 100000
BATCH = 1024


def setup_inputs(seed: int = 0) -> dict:
    key = jax.random.key(seed)
    k1, k2, k3, k4, k5 = jax.random.split(key, 5)
    x = jax.random.randint(k1, (BATCH, MODEL_SIZE), 0, VOCAB, dtype=jnp.int64 if jax.config.jax_enable_x64 else jnp.int32)
    keys_table = jax.random.normal(k2, (VOCAB, MODEL_D), dtype=jnp.float32)
    vals_table = jax.random.normal(k3, (VOCAB, MODEL_D), dtype=jnp.float32)
    fan_in = MODEL_D + MODEL_SIZE
    bound = 1.0 / np.sqrt(fan_in)
    fuse_w = jax.random.uniform(k4, (MODEL_D, fan_in), minval=-bound, maxval=bound, dtype=jnp.float32)
    fuse_b = jax.random.uniform(k5, (MODEL_D,), minval=-bound, maxval=bound, dtype=jnp.float32)
    return {"x": x, "keys_table": keys_table, "vals_table": vals_table, "fuse_w": fuse_w, "fuse_b": fuse_b}


def reference(x, keys_table, vals_table, fuse_w, fuse_b):
    # embedding lookups (gather)
    keys = jnp.take(keys_table, x, axis=0)  # [B, S, D]
    vals = jnp.take(vals_table, x, axis=0)  # [B, S, D]
    # positional identity matrix broadcast over batch
    I = jnp.eye(MODEL_SIZE, dtype=jnp.float32)
    pos = jnp.broadcast_to(I[None, :, :], (x.shape[0], MODEL_SIZE, MODEL_SIZE))
    keys = jnp.concatenate([keys, pos], axis=-1)  # [B, S, D+S]
    vals = jnp.concatenate([vals, pos], axis=-1)
    vals = jnp.dot(vals, fuse_w.T) + fuse_b  # [B, S, D]
    keys = jnp.dot(keys, fuse_w.T) + fuse_b
    return (keys, vals)

if __name__ == "__main__":
    import jax
    _d = setup_inputs()
    print(jax.jit(kernel)(*tuple(_d.values())))

</pallas_src>

<mosaic_0001>
#map = affine_map<(d0, d1) -> (0, 0)>
#map1 = affine_map<(d0, d1) -> (0)>
module attributes {stable_mosaic.version = 14 : i64} {
  func.func @_gather_body(%arg0: i32, %arg1: i32, %arg2: memref<100000x128xi32, #tpu.memory_space<hbm>>, %arg3: memref<200x128xi32, #tpu.memory_space<hbm>>, %arg4: memref<204800xi32, #tpu.memory_space<hbm>>, %arg5: memref<204800x128xf32, #tpu.memory_space<hbm>>, %arg6: memref<204800x128xf32, #tpu.memory_space<hbm>>, %arg7: memref<200xi32, #tpu.memory_space<vmem>>, %arg8: memref<200xi32, #tpu.memory_space<vmem>>, %arg9: memref<200x128xi32, #tpu.memory_space<vmem>>, %arg10: memref<200x128xi32, #tpu.memory_space<vmem>>, %arg11: memref<200x128xi32, #tpu.memory_space<vmem>>, %arg12: memref<200x128xf32, #tpu.memory_space<vmem>>, %arg13: memref<200x128xf32, #tpu.memory_space<vmem>>, %arg14: memref<!tpu.dma_semaphore, #tpu.memory_space<semaphore_mem>>, %arg15: memref<!tpu.dma_semaphore, #tpu.memory_space<semaphore_mem>>, %arg16: memref<!tpu.dma_semaphore, #tpu.memory_space<semaphore_mem>>) attributes {dimension_semantics = [#tpu.dimension_semantics<core_parallel>, #tpu.dimension_semantics<subcore_parallel>], iteration_bounds = array<i64: 2, 16>, scalar_prefetch = 0 : i64, scratch_operands = 10 : i64, tpu.core_type = #tpu.core_type<sc_vector_subcore>, window_params = [{transform_indices = #map}, {transform_indices = #map}, {transform_indices = #map1}, {transform_indices = #map}, {transform_indices = #map}]} {
    %mul3A = arith.constant 2 : i32
    %mul3A_0 = arith.muli %arg1, %mul3A : i32
    %add3A = arith.addi %mul3A_0, %arg0 : i32
    %mul3A_1 = arith.constant 32 : i32
    %mul3A_2 = arith.muli %add3A, %mul3A_1 : i32
    %mul3A_3 = arith.constant 200 : i32
    %mul3A_4 = arith.muli %mul3A_2, %mul3A_3 : i32
    "tpu.region"() ({
      %run_scoped3A = tpu.sem_alloc : memref<!tpu.dma_semaphore, #tpu.memory_space<semaphore_mem>>
      tpu.enqueue_dma source(%arg3 : memref<200x128xi32, #tpu.memory_space<hbm>>) target(%arg11 : memref<200x128xi32, #tpu.memory_space<vmem>>) target_semaphore(%run_scoped3A : memref<!tpu.dma_semaphore, #tpu.memory_space<semaphore_mem>>)
      tpu.wait_dma2 semaphore(%run_scoped3A : memref<!tpu.dma_semaphore, #tpu.memory_space<semaphore_mem>>) src(%arg3 : memref<200x128xi32, #tpu.memory_space<hbm>>) dst(%arg11 : memref<200x128xi32, #tpu.memory_space<vmem>>)
      tpu.yield
    }) : () -> ()
    %add3A_5 = arith.constant 0 : i32
    %add3A_6 = arith.addi %mul3A_4, %add3A_5 : i32
    "tpu.region"() ({
      %run_scoped3A = tpu.sem_alloc : memref<!tpu.dma_semaphore, #tpu.memory_space<semaphore_mem>>
      %dma_start3A_38 = tpu.memref_slice %arg4[%add3A_6] : memref<204800xi32, #tpu.memory_space<hbm>> -> memref<200xi32, #tpu.memory_space<hbm>>
      %dma_start3A_39 = tpu.memref_slice %arg4[%add3A_6] : memref<204800xi32, #tpu.memory_space<hbm>> -> memref<200xi32, #tpu.memory_space<hbm>>
      tpu.enqueue_dma source(%dma_start3A_39 : memref<200xi32, #tpu.memory_space<hbm>>) target(%arg7 : memref<200xi32, #tpu.memory_space<vmem>>) target_semaphore(%run_scoped3A : memref<!tpu.dma_semaphore, #tpu.memory_space<semaphore_mem>>)
      %dma_wait3A_40 = tpu.memref_slice %arg4[%add3A_6] : memref<204800xi32, #tpu.memory_space<hbm>> -> memref<200xi32, #tpu.memory_space<hbm>>
      %dma_wait3A_41 = tpu.memref_slice %arg4[%add3A_6] : memref<204800xi32, #tpu.memory_space<hbm>> -> memref<200xi32, #tpu.memory_space<hbm>>
      tpu.wait_dma2 semaphore(%run_scoped3A : memref<!tpu.dma_semaphore, #tpu.memory_space<semaphore_mem>>) src(%dma_wait3A_41 : memref<200xi32, #tpu.memory_space<hbm>>) dst(%arg7 : memref<200xi32, #tpu.memory_space<vmem>>)
      tpu.yield
    }) : () -> ()
    %dma_start3A = arith.constant 0 : i32
    %dma_start3A_7 = arith.constant 0 : i32
    %dma_start3A_8 = tpu.memref_slice %arg9[%dma_start3A, %dma_start3A_7] : memref<200x128xi32, #tpu.memory_space<vmem>> -> memref<104x128xi32, #tpu.memory_space<vmem>>
    %dma_start3A_9 = arith.constant 0 : i32
    %dma_start3A_10 = tpu.memref_slice %arg7[%dma_start3A_9] : memref<200xi32, #tpu.memory_space<vmem>> -> memref<104xi32, #tpu.memory_space<vmem>>
    %dma_start3A_11 = arith.constant 0 : i32
    %dma_start3A_12 = arith.constant 0 : i32
    %dma_start3A_13 = tpu.memref_slice %arg2[%dma_start3A_11, %dma_start3A_12] : memref<100000x128xi32, #tpu.memory_space<hbm>> -> memref<100000x128xi32, #tpu.memory_space<hbm>>
    tpu.enqueue_indirect_dma source(%dma_start3A_13 : memref<100000x128xi32, #tpu.memory_space<hbm>>) target(%dma_start3A_8 : memref<104x128xi32, #tpu.memory_space<vmem>>) offsets(%dma_start3A_10 : memref<104xi32, #tpu.memory_space<vmem>>) semaphore(%arg14 : memref<!tpu.dma_semaphore, #tpu.memory_space<semaphore_mem>>)
    %dma_start3A_14 = arith.constant 104 : i32
    %dma_start3A_15 = arith.constant 0 : i32
    %dma_start3A_16 = tpu.memref_slice %arg9[%dma_start3A_14, %dma_start3A_15] : memref<200x128xi32, #tpu.memory_space<vmem>> -> memref<96x128xi32, #tpu.memory_space<vmem>>
    %dma_start3A_17 = arith.constant 104 : i32
    %dma_start3A_18 = tpu.memref_slice %arg7[%dma_start3A_17] : memref<200xi32, #tpu.memory_space<vmem>> -> memref<96xi32, #tpu.memory_space<vmem>>
    %dma_start3A_19 = arith.constant 0 : i32
    %dma_start3A_20 = arith.constant 0 : i32
    %dma_start3A_21 = tpu.memref_slice %arg2[%dma_start3A_19, %dma_start3A_20] : memref<100000x128xi32, #tpu.memory_space<hbm>> -> memref<100000x128xi32, #tpu.memory_space<hbm>>
    tpu.enqueue_indirect_dma source(%dma_start3A_21 : memref<100000x128xi32, #tpu.memory_space<hbm>>) target(%dma_start3A_16 : memref<96x128xi32, #tpu.memory_space<vmem>>) offsets(%dma_start3A_18 : memref<96xi32, #tpu.memory_space<vmem>>) semaphore(%arg14 : memref<!tpu.dma_semaphore, #tpu.memory_space<semaphore_mem>>)
    %scan3A = arith.constant 0 : i32
    %scan3A_22 = arith.constant 0 : i32
    %scan3A_23 = arith.constant 16 : i32
    %scan3A_24 = arith.addi %scan3A_22, %scan3A_23 : i32
    %scan3A_25 = arith.constant 1 : i32
    scf.for %scan3A_38 = %scan3A_22 to %scan3A_24 step %scan3A_25  : i32 {
      %mul3A_39 = arith.constant 2 : i32
      %mul3A_40 = arith.muli %mul3A_39, %scan3A_38 : i32
      %add3A_41 = arith.constant 0 : i32
      %add3A_42 = arith.addi %mul3A_40, %add3A_41 : i32
      %mul3A_43 = arith.constant 200 : i32
      %mul3A_44 = arith.muli %add3A_42, %mul3A_43 : i32
      %add3A_45 = arith.addi %mul3A_4, %mul3A_44 : i32
      %lt3A = arith.constant 31 : i32
      %lt3A_46 = arith.cmpi slt, %add3A_42, %lt3A : i32
      %convert_element_type3A = arith.extui %lt3A_46 : i1 to i32
      %cond3A = arith.constant 0 : i32
      %cond3A_47 = arith.cmpi ne, %convert_element_type3A, %cond3A : i32
      scf.if %cond3A_47 {
        %add3A_109 = arith.constant 1 : i32
        %add3A_110 = arith.addi %add3A_42, %add3A_109 : i32
        %mul3A_111 = arith.constant 200 : i32
        %mul3A_112 = arith.muli %add3A_110, %mul3A_111 : i32
        %add3A_113 = arith.addi %mul3A_4, %mul3A_112 : i32
        "tpu.region"() ({
          %run_scoped3A = tpu.sem_alloc : memref<!tpu.dma_semaphore, #tpu.memory_space<semaphore_mem>>
          %dma_start3A_130 = tpu.memref_slice %arg4[%add3A_113] : memref<204800xi32, #tpu.memory_space<hbm>> -> memref<200xi32, #tpu.memory_space<hbm>>
          %dma_start3A_131 = tpu.memref_slice %arg4[%add3A_113] : memref<204800xi32, #tpu.memory_space<hbm>> -> memref<200xi32, #tpu.memory_space<hbm>>
          tpu.enqueue_dma source(%dma_start3A_131 : memref<200xi32, #tpu.memory_space<hbm>>) target(%arg8 : memref<200xi32, #tpu.memory_space<vmem>>) target_semaphore(%run_scoped3A : memref<!tpu.dma_semaphore, #tpu.memory_space<semaphore_mem>>)
          %dma_wait3A_132 = tpu.memref_slice %arg4[%add3A_113] : memref<204800xi32, #tpu.memory_space<hbm>> -> memref<200xi32, #tpu.memory_space<hbm>>
          %dma_wait3A_133 = tpu.memref_slice %arg4[%add3A_113] : memref<204800xi32, #tpu.memory_space<hbm>> -> memref<200xi32, #tpu.memory_space<hbm>>
          tpu.wait_dma2 semaphore(%run_scoped3A : memref<!tpu.dma_semaphore, #tpu.memory_space<semaphore_mem>>) src(%dma_wait3A_133 : memref<200xi32, #tpu.memory_space<hbm>>) dst(%arg8 : memref<200xi32, #tpu.memory_space<vmem>>)
          tpu.yield
        }) : () -> ()
        %dma_start3A_114 = arith.constant 0 : i32
        %dma_start3A_115 = arith.constant 0 : i32
        %dma_start3A_116 = tpu.memref_slice %arg10[%dma_start3A_114, %dma_start3A_115] : memref<200x128xi32, #tpu.memory_space<vmem>> -> memref<104x128xi32, #tpu.memory_space<vmem>>
        %dma_start3A_117 = arith.constant 0 : i32
        %dma_start3A_118 = tpu.memref_slice %arg8[%dma_start3A_117] : memref<200xi32, #tpu.memory_space<vmem>> -> memref<104xi32, #tpu.memory_space<vmem>>
        %dma_start3A_119 = arith.constant 0 : i32
        %dma_start3A_120 = arith.constant 0 : i32
        %dma_start3A_121 = tpu.memref_slice %arg2[%dma_start3A_119, %dma_start3A_120] : memref<100000x128xi32, #tpu.memory_space<hbm>> -> memref<100000x128xi32, #tpu.memory_space<hbm>>
        tpu.enqueue_indirect_dma source(%dma_start3A_121 : memref<100000x128xi32, #tpu.memory_space<hbm>>) target(%dma_start3A_116 : memref<104x128xi32, #tpu.memory_space<vmem>>) offsets(%dma_start3A_118 : memref<104xi32, #tpu.memory_space<vmem>>) semaphore(%arg15 : memref<!tpu.dma_semaphore, #tpu.memory_space<semaphore_mem>>)
        %dma_start3A_122 = arith.constant 104 : i32
        %dma_start3A_123 = arith.constant 0 : i32
        %dma_start3A_124 = tpu.memref_slice %arg10[%dma_start3A_122, %dma_start3A_123] : memref<200x128xi32, #tpu.memory_space<vmem>> -> memref<96x128xi32, #tpu.memory_space<vmem>>
        %dma_start3A_125 = arith.constant 104 : i32
        %dma_start3A_126 = tpu.memref_slice %arg8[%dma_start3A_125] : memref<200xi32, #tpu.memory_space<vmem>> -> memref<96xi32, #tpu.memory_space<vmem>>
        %dma_start3A_127 = arith.constant 0 : i32
        %dma_start3A_128 = arith.constant 0 : i32
        %dma_start3A_129 = tpu.memref_slice %arg2[%dma_start3A_127, %dma_start3A_128] : memref<100000x128xi32, #tpu.memory_space<hbm>> -> memref<100000x128xi32, #tpu.memory_space<hbm>>
        tpu.enqueue_indirect_dma source(%dma_start3A_129 : memref<100000x128xi32, #tpu.memory_space<hbm>>) target(%dma_start3A_124 : memref<96x128xi32, #tpu.memory_space<vmem>>) offsets(%dma_start3A_126 : memref<96xi32, #tpu.memory_space<vmem>>) semaphore(%arg15 : memref<!tpu.dma_semaphore, #tpu.memory_space<semaphore_mem>>)
      } else {
      }
      %dma_wait3A_48 = arith.constant 0 : i32
      %dma_wait3A_49 = arith.constant 0 : i32
      %dma_wait3A_50 = tpu.memref_slice %arg2[%dma_wait3A_48, %dma_wait3A_49] : memref<100000x128xi32, #tpu.memory_space<hbm>> -> memref<200x128xi32, #tpu.memory_space<hbm>>
      %dma_wait3A_51 = arith.constant 0 : i32
      %dma_wait3A_52 = arith.constant 0 : i32
      %dma_wait3A_53 = tpu.memref_slice %arg2[%dma_wait3A_51, %dma_wait3A_52] : memref<100000x128xi32, #tpu.memory_space<hbm>> -> memref<200x128xi32, #tpu.memory_space<hbm>>
      tpu.wait_dma2 semaphore(%arg14 : memref<!tpu.dma_semaphore, #tpu.memory_space<semaphore_mem>>) src(%dma_wait3A_53 : memref<200x128xi32, #tpu.memory_space<hbm>>) dst(%arg9 : memref<200x128xi32, #tpu.memory_space<vmem>>)
      %ge3A = arith.constant 1 : i32
      %ge3A_54 = arith.cmpi sge, %add3A_42, %ge3A : i32
      %convert_element_type3A_55 = arith.extui %ge3A_54 : i1 to i32
      %cond3A_56 = arith.constant 0 : i32
      %cond3A_57 = arith.cmpi ne, %convert_element_type3A_55, %cond3A_56 : i32
      scf.if %cond3A_57 {
        %dma_wait3A_109 = arith.constant 0 : i32
        %dma_wait3A_110 = arith.constant 0 : i32
        %dma_wait3A_111 = tpu.memref_slice %arg5[%dma_wait3A_109, %dma_wait3A_110] : memref<204800x128xf32, #tpu.memory_space<hbm>> -> memref<200x128xf32, #tpu.memory_space<hbm>>
        %dma_wait3A_112 = arith.constant 0 : i32
        %dma_wait3A_113 = arith.constant 0 : i32
        %dma_wait3A_114 = tpu.memref_slice %arg5[%dma_wait3A_112, %dma_wait3A_113] : memref<204800x128xf32, #tpu.memory_space<hbm>> -> memref<200x128xf32, #tpu.memory_space<hbm>>
        tpu.wait_dma2 semaphore(%arg16 : memref<!tpu.dma_semaphore, #tpu.memory_space<semaphore_mem>>) src(%arg12 : memref<200x128xf32, #tpu.memory_space<vmem>>) dst(%dma_wait3A_114 : memref<200x128xf32, #tpu.memory_space<hbm>>)
        %dma_wait3A_115 = arith.constant 0 : i32
        %dma_wait3A_116 = arith.constant 0 : i32
        %dma_wait3A_117 = tpu.memref_slice %arg6[%dma_wait3A_115, %dma_wait3A_116] : memref<204800x128xf32, #tpu.memory_space<hbm>> -> memref<200x128xf32, #tpu.memory_space<hbm>>
        %dma_wait3A_118 = arith.constant 0 : i32
        %dma_wait3A_119 = arith.constant 0 : i32
        %dma_wait3A_120 = tpu.memref_slice %arg6[%dma_wait3A_118, %dma_wait3A_119] : memref<204800x128xf32, #tpu.memory_space<hbm>> -> memref<200x128xf32, #tpu.memory_space<hbm>>
        tpu.wait_dma2 semaphore(%arg16 : memref<!tpu.dma_semaphore, #tpu.memory_space<semaphore_mem>>) src(%arg13 : memref<200x128xf32, #tpu.memory_space<vmem>>) dst(%dma_wait3A_120 : memref<200x128xf32, #tpu.memory_space<hbm>>)
      } else {
      }
      %scan3A_58 = arith.constant 0 : i32
      %scan3A_59 = arith.constant 0 : i32
      %scan3A_60 = arith.constant 200 : i32
      %scan3A_61 = arith.addi %scan3A_59, %scan3A_60 : i32
      %scan3A_62 = arith.constant 1 : i32
      scf.for %scan3A_109 = %scan3A_59 to %scan3A_61 step %scan3A_62  : i32 {
        %get3A = arith.index_cast %scan3A_109 : i32 to index
        %get3A_110 = arith.constant 0 : index
        %get3A_111 = tpu.vector_load %arg11[%get3A, %get3A_110] {strides = array<i32>} : memref<200x128xi32, #tpu.memory_space<vmem>>, vector<1x16xi32>,
        %get3A_112 = vector.shape_cast %get3A_111 : vector<1x16xi32> to vector<16xi32>
        %shift_left3A = arith.constant 16 : i32
        %shift_left3A_113 = vector.broadcast %shift_left3A : i32 to vector<16xi32>
        %shift_left3A_114 = arith.shli %get3A_112, %shift_left3A_113 : vector<16xi32>
        %bitcast_convert_type3A = tpu.bitcast %shift_left3A_114 : vector<16xi32> -> vector<16xf32>
        %and3A = arith.constant -65536 : i32
        %and3A_115 = vector.broadcast %and3A : i32 to vector<16xi32>
        %and3A_116 = arith.andi %get3A_112, %and3A_115 : vector<16xi32>
        %bitcast_convert_type3A_117 = tpu.bitcast %and3A_116 : vector<16xi32> -> vector<16xf32>
        %get3A_118 = arith.index_cast %scan3A_109 : i32 to index
        %get3A_119 = arith.constant 0 : index
        %get3A_120 = tpu.vector_load %arg9[%get3A_118, %get3A_119] {strides = array<i32>} : memref<200x128xi32, #tpu.memory_space<vmem>>, vector<1x16xi32>,
        %get3A_121 = vector.shape_cast %get3A_120 : vector<1x16xi32> to vector<16xi32>
        %shift_left3A_122 = arith.constant 16 : i32
        %shift_left3A_123 = vector.broadcast %shift_left3A_122 : i32 to vector<16xi32>
        %shift_left3A_124 = arith.shli %get3A_121, %shift_left3A_123 : vector<16xi32>
        %bitcast_convert_type3A_125 = tpu.bitcast %shift_left3A_124 : vector<16xi32> -> vector<16xf32>
        %and3A_126 = arith.constant -65536 : i32
        %and3A_127 = vector.broadcast %and3A_126 : i32 to vector<16xi32>
        %and3A_128 = arith.andi %get3A_121, %and3A_127 : vector<16xi32>
        %bitcast_convert_type3A_129 = tpu.bitcast %and3A_128 : vector<16xi32> -> vector<16xf32>
        %get3A_130 = arith.index_cast %scan3A_109 : i32 to index
        %get3A_131 = arith.constant 64 : index
        %get3A_132 = tpu.vector_load %arg9[%get3A_130, %get3A_131] {strides = array<i32>} : memref<200x128xi32, #tpu.memory_space<vmem>>, vector<1x16xi32>,
        %get3A_133 = vector.shape_cast %get3A_132 : vector<1x16xi32> to vector<16xi32>
        %shift_left3A_134 = arith.constant 16 : i32
        %shift_left3A_135 = vector.broadcast %shift_left3A_134 : i32 to vector<16xi32>
        %shift_left3A_136 = arith.shli %get3A_133, %shift_left3A_135 : vector<16xi32>
        %bitcast_convert_type3A_137 = tpu.bitcast %shift_left3A_136 : vector<16xi32> -> vector<16xf32>
        %and3A_138 = arith.constant -65536 : i32
        %and3A_139 = vector.broadcast %and3A_138 : i32 to vector<16xi32>
        %and3A_140 = arith.andi %get3A_133, %and3A_139 : vector<16xi32>
        %bitcast_convert_type3A_141 = tpu.bitcast %and3A_140 : vector<16xi32> -> vector<16xf32>
        %add3A_142 = arith.addf %bitcast_convert_type3A_125, %bitcast_convert_type3A : vector<16xf32>
        %swap3A = arith.index_cast %scan3A_109 : i32 to index
        %swap3A_143 = arith.constant 0 : index
        %swap3A_144 = tpu.vector_load %arg12[%swap3A, %swap3A_143] {strides = array<i32>} : memref<200x128xf32, #tpu.memory_space<vmem>>, vector<1x16xf32>,
        %swap3A_145 = vector.shape_cast %swap3A_144 : vector<1x16xf32> to vector<16xf32>
        %swap3A_146 = vector.shape_cast %add3A_142 : vector<16xf32> to vector<1x16xf32>
        tpu.vector_store %arg12[%swap3A, %swap3A_143], %swap3A_146 {strides = array<i32>} : memref<200x128xf32, #tpu.memory_space<vmem>>, vector<1x16xf32>,
        %add3A_147 = arith.addf %bitcast_convert_type3A_129, %bitcast_convert_type3A_117 : vector<16xf32>
        %swap3A_148 = arith.index_cast %scan3A_109 : i32 to index
        %swap3A_149 = arith.constant 16 : index
        %swap3A_150 = tpu.vector_load %arg12[%swap3A_148, %swap3A_149] {strides = array<i32>} : memref<200x128xf32, #tpu.memory_space<vmem>>, vector<1x16xf32>,
        %swap3A_151 = vector.shape_cast %swap3A_150 : vector<1x16xf32> to vector<16xf32>
        %swap3A_152 = vector.shape_cast %add3A_147 : vector<16xf32> to vector<1x16xf32>
        tpu.vector_store %arg12[%swap3A_148, %swap3A_149], %swap3A_152 {strides = array<i32>} : memref<200x128xf32, #tpu.memory_space<vmem>>, vector<1x16xf32>,
        %add3A_153 = arith.addf %bitcast_convert_type3A_137, %bitcast_convert_type3A : vector<16xf32>
        %swap3A_154 = arith.index_cast %scan3A_109 : i32 to index
        %swap3A_155 = arith.constant 0 : index
        %swap3A_156 = tpu.vector_load %arg13[%swap3A_154, %swap3A_155] {strides = array<i32>} : memref<200x128xf32, #tpu.memory_space<vmem>>, vector<1x16xf32>,
        %swap3A_157 = vector.shape_cast %swap3A_156 : vector<1x16xf32> to vector<16xf32>
        %swap3A_158 = vector.shape_cast %add3A_153 : vector<16xf32> to vector<1x16xf32>
        tpu.vector_store %arg13[%swap3A_154, %swap3A_155], %swap3A_158 {strides = array<i32>} : memref<200x128xf32, #tpu.memory_space<vmem>>, vector<1x16xf32>,
        %add3A_159 = arith.addf %bitcast_convert_type3A_141, %bitcast_convert_type3A_117 : vector<16xf32>
        %swap3A_160 = arith.index_cast %scan3A_109 : i32 to index
        %swap3A_161 = arith.constant 16 : index
        %swap3A_162 = tpu.vector_load %arg13[%swap3A_160, %swap3A_161] {strides = array<i32>} : memref<200x128xf32, #tpu.memory_space<vmem>>, vector<1x16xf32>,
        %swap3A_163 = vector.shape_cast %swap3A_162 : vector<1x16xf32> to vector<16xf32>
        %swap3A_164 = vector.shape_cast %add3A_159 : vector<16xf32> to vector<1x16xf32>
        tpu.vector_store %arg13[%swap3A_160, %swap3A_161], %swap3A_164 {strides = array<i32>} : memref<200x128xf32, #tpu.memory_space<vmem>>, vector<1x16xf32>,
        %get3A_165 = arith.index_cast %scan3A_109 : i32 to index
        %get3A_166 = arith.constant 16 : index
        %get3A_167 = tpu.vector_load %arg11[%get3A_165, %get3A_166] {strides = array<i32>} : memref<200x128xi32, #tpu.memory_space<vmem>>, vector<1x16xi32>,
        %get3A_168 = vector.shape_cast %get3A_167 : vector<1x16xi32> to vector<16xi32>
        %shift_left3A_169 = arith.constant 16 : i32
        %shift_left3A_170 = vector.broadcast %shift_left3A_169 : i32 to vector<16xi32>
        %shift_left3A_171 = arith.shli %get3A_168, %shift_left3A_170 : vector<16xi32>
        %bitcast_convert_type3A_172 = tpu.bitcast %shift_left3A_171 : vector<16xi32> -> vector<16xf32>
        %and3A_173 = arith.constant -65536 : i32
        %and3A_174 = vector.broadcast %and3A_173 : i32 to vector<16xi32>
        %and3A_175 = arith.andi %get3A_168, %and3A_174 : vector<16xi32>
        %bitcast_convert_type3A_176 = tpu.bitcast %and3A_175 : vector<16xi32> -> vector<16xf32>
        %get3A_177 = arith.index_cast %scan3A_109 : i32 to index
        %get3A_178 = arith.constant 16 : index
        %get3A_179 = tpu.vector_load %arg9[%get3A_177, %get3A_178] {strides = array<i32>} : memref<200x128xi32, #tpu.memory_space<vmem>>, vector<1x16xi32>,
        %get3A_180 = vector.shape_cast %get3A_179 : vector<1x16xi32> to vector<16xi32>
        %shift_left3A_181 = arith.constant 16 : i32
        %shift_left3A_182 = vector.broadcast %shift_left3A_181 : i32 to vector<16xi32>
        %shift_left3A_183 = arith.shli %get3A_180, %shift_left3A_182 : vector<16xi32>
        %bitcast_convert_type3A_184 = tpu.bitcast %shift_left3A_183 : vector<16xi32> -> vector<16xf32>
        %and3A_185 = arith.constant -65536 : i32
        %and3A_186 = vector.broadcast %and3A_185 : i32 to vector<16xi32>
        %and3A_187 = arith.andi %get3A_180, %and3A_186 : vector<16xi32>
        %bitcast_convert_type3A_188 = tpu.bitcast %and3A_187 : vector<16xi32> -> vector<16xf32>
        %get3A_189 = arith.index_cast %scan3A_109 : i32 to index
        %get3A_190 = arith.constant 80 : index
        %get3A_191 = tpu.vector_load %arg9[%get3A_189, %get3A_190] {strides = array<i32>} : memref<200x128xi32, #tpu.memory_space<vmem>>, vector<1x16xi32>,
        %get3A_192 = vector.shape_cast %get3A_191 : vector<1x16xi32> to vector<16xi32>
        %shift_left3A_193 = arith.constant 16 : i32
        %shift_left3A_194 = vector.broadcast %shift_left3A_193 : i32 to vector<16xi32>
        %shift_left3A_195 = arith.shli %get3A_192, %shift_left3A_194 : vector<16xi32>
        %bitcast_convert_type3A_196 = tpu.bitcast %shift_left3A_195 : vector<16xi32> -> vector<16xf32>
        %and3A_197 = arith.constant -65536 : i32
        %and3A_198 = vector.broadcast %and3A_197 : i32 to vector<16xi32>
        %and3A_199 = arith.andi %get3A_192, %and3A_198 : vector<16xi32>
        %bitcast_convert_type3A_200 = tpu.bitcast %and3A_199 : vector<16xi32> -> vector<16xf32>
        %add3A_201 = arith.addf %bitcast_convert_type3A_184, %bitcast_convert_type3A_172 : vector<16xf32>
        %swap3A_202 = arith.index_cast %scan3A_109 : i32 to index
        %swap3A_203 = arith.constant 32 : index
        %swap3A_204 = tpu.vector_load %arg12[%swap3A_202, %swap3A_203] {strides = array<i32>} : memref<200x128xf32, #tpu.memory_space<vmem>>, vector<1x16xf32>,
        %swap3A_205 = vector.shape_cast %swap3A_204 : vector<1x16xf32> to vector<16xf32>
        %swap3A_206 = vector.shape_cast %add3A_201 : vector<16xf32> to vector<1x16xf32>
        tpu.vector_store %arg12[%swap3A_202, %swap3A_203], %swap3A_206 {strides = array<i32>} : memref<200x128xf32, #tpu.memory_space<vmem>>, vector<1x16xf32>,
        %add3A_207 = arith.addf %bitcast_convert_type3A_188, %bitcast_convert_type3A_176 : vector<16xf32>
        %swap3A_208 = arith.index_cast %scan3A_109 : i32 to index
        %swap3A_209 = arith.constant 48 : index
        %swap3A_210 = tpu.vector_load %arg12[%swap3A_208, %swap3A_209] {strides = array<i32>} : memref<200x128xf32, #tpu.memory_space<vmem>>, vector<1x16xf32>,
        %swap3A_211 = vector.shape_cast %swap3A_210 : vector<1x16xf32> to vector<16xf32>
        %swap3A_212 = vector.shape_cast %add3A_207 : vector<16xf32> to vector<1x16xf32>
        tpu.vector_store %arg12[%swap3A_208, %swap3A_209], %swap3A_212 {strides = array<i32>} : memref<200x128xf32, #tpu.memory_space<vmem>>, vector<1x16xf32>,
        %add3A_213 = arith.addf %bitcast_convert_type3A_196, %bitcast_convert_type3A_172 : vector<16xf32>
        %swap3A_214 = arith.index_cast %scan3A_109 : i32 to index
        %swap3A_215 = arith.constant 32 : index
        %swap3A_216 = tpu.vector_load %arg13[%swap3A_214, %swap3A_215] {strides = array<i32>} : memref<200x128xf32, #tpu.memory_space<vmem>>, vector<1x16xf32>,
        %swap3A_217 = vector.shape_cast %swap3A_216 : vector<1x16xf32> to vector<16xf32>
        %swap3A_218 = vector.shape_cast %add3A_213 : vector<16xf32> to vector<1x16xf32>
        tpu.vector_store %arg13[%swap3A_214, %swap3A_215], %swap3A_218 {strides = array<i32>} : memref<200x128xf32, #tpu.memory_space<vmem>>, vector<1x16xf32>,
        %add3A_219 = arith.addf %bitcast_convert_type3A_200, %bitcast_convert_type3A_176 : vector<16xf32>
        %swap3A_220 = arith.index_cast %scan3A_109 : i32 to index
        %swap3A_221 = arith.constant 48 : index
        %swap3A_222 = tpu.vector_load %arg13[%swap3A_220, %swap3A_221] {strides = array<i32>} : memref<200x128xf32, #tpu.memory_space<vmem>>, vector<1x16xf32>,
        %swap3A_223 = vector.shape_cast %swap3A_222 : vector<1x16xf32> to vector<16xf32>
        %swap3A_224 = vector.shape_cast %add3A_219 : vector<16xf32> to vector<1x16xf32>
        tpu.vector_store %arg13[%swap3A_220, %swap3A_221], %swap3A_224 {strides = array<i32>} : memref<200x128xf32, #tpu.memory_space<vmem>>, vector<1x16xf32>,
        %get3A_225 = arith.index_cast %scan3A_109 : i32 to index
        %get3A_226 = arith.constant 32 : index
        %get3A_227 = tpu.vector_load %arg11[%get3A_225, %get3A_226] {strides = array<i32>} : memref<200x128xi32, #tpu.memory_space<vmem>>, vector<1x16xi32>,
        %get3A_228 = vector.shape_cast %get3A_227 : vector<1x16xi32> to vector<16xi32>
        %shift_left3A_229 = arith.constant 16 : i32
        %shift_left3A_230 = vector.broadcast %shift_left3A_229 : i32 to vector<16xi32>
        %shift_left3A_231 = arith.shli %get3A_228, %shift_left3A_230 : vector<16xi32>
        %bitcast_convert_type3A_232 = tpu.bitcast %shift_left3A_231 : vector<16xi32> -> vector<16xf32>
        %and3A_233 = arith.constant -65536 : i32
        %and3A_234 = vector.broadcast %and3A_233 : i32 to vector<16xi32>
        %and3A_235 = arith.andi %get3A_228, %and3A_234 : vector<16xi32>
        %bitcast_convert_type3A_236 = tpu.bitcast %and3A_235 : vector<16xi32> -> vector<16xf32>
        %get3A_237 = arith.index_cast %scan3A_109 : i32 to index
        %get3A_238 = arith.constant 32 : index
        %get3A_239 = tpu.vector_load %arg9[%get3A_237, %get3A_238] {strides = array<i32>} : memref<200x128xi32, #tpu.memory_space<vmem>>, vector<1x16xi32>,
        %get3A_240 = vector.shape_cast %get3A_239 : vector<1x16xi32> to vector<16xi32>
        %shift_left3A_241 = arith.constant 16 : i32
        %shift_left3A_242 = vector.broadcast %shift_left3A_241 : i32 to vector<16xi32>
        %shift_left3A_243 = arith.shli %get3A_240, %shift_left3A_242 : vector<16xi32>
        %bitcast_convert_type3A_244 = tpu.bitcast %shift_left3A_243 : vector<16xi32> -> vector<16xf32>
        %and3A_245 = arith.constant -65536 : i32
        %and3A_246 = vector.broadcast %and3A_245 : i32 to vector<16xi32>
        %and3A_247 = arith.andi %get3A_240, %and3A_246 : vector<16xi32>
        %bitcast_convert_type3A_248 = tpu.bitcast %and3A_247 : vector<16xi32> -> vector<16xf32>
        %get3A_249 = arith.index_cast %scan3A_109 : i32 to index
        %get3A_250 = arith.constant 96 : index
        %get3A_251 = tpu.vector_load %arg9[%get3A_249, %get3A_250] {strides = array<i32>} : memref<200x128xi32, #tpu.memory_space<vmem>>, vector<1x16xi32>,
        %get3A_252 = vector.shape_cast %get3A_251 : vector<1x16xi32> to vector<16xi32>
        %shift_left3A_253 = arith.constant 16 : i32
        %shift_left3A_254 = vector.broadcast %shift_left3A_253 : i32 to vector<16xi32>
        %shift_left3A_255 = arith.shli %get3A_252, %shift_left3A_254 : vector<16xi32>
        %bitcast_convert_type3A_256 = tpu.bitcast %shift_left3A_255 : vector<16xi32> -> vector<16xf32>
        %and3A_257 = arith.constant -65536 : i32
        %and3A_258 = vector.broadcast %and3A_257 : i32 to vector<16xi32>
        %and3A_259 = arith.andi %get3A_252, %and3A_258 : vector<16xi32>
        %bitcast_convert_type3A_260 = tpu.bitcast %and3A_259 : vector<16xi32> -> vector<16xf32>
        %add3A_261 = arith.addf %bitcast_convert_type3A_244, %bitcast_convert_type3A_232 : vector<16xf32>
        %swap3A_262 = arith.index_cast %scan3A_109 : i32 to index
        %swap3A_263 = arith.constant 64 : index
        %swap3A_264 = tpu.vector_load %arg12[%swap3A_262, %swap3A_263] {strides = array<i32>} : memref<200x128xf32, #tpu.memory_space<vmem>>, vector<1x16xf32>,
        %swap3A_265 = vector.shape_cast %swap3A_264 : vector<1x16xf32> to vector<16xf32>
        %swap3A_266 = vector.shape_cast %add3A_261 : vector<16xf32> to vector<1x16xf32>
        tpu.vector_store %arg12[%swap3A_262, %swap3A_263], %swap3A_266 {strides = array<i32>} : memref<200x128xf32, #tpu.memory_space<vmem>>, vector<1x16xf32>,
        %add3A_267 = arith.addf %bitcast_convert_type3A_248, %bitcast_convert_type3A_236 : vector<16xf32>
        %swap3A_268 = arith.index_cast %scan3A_109 : i32 to index
        %swap3A_269 = arith.constant 80 : index
        %swap3A_270 = tpu.vector_load %arg12[%swap3A_268, %swap3A_269] {strides = array<i32>} : memref<200x128xf32, #tpu.memory_space<vmem>>, vector<1x16xf32>,
        %swap3A_271 = vector.shape_cast %swap3A_270 : vector<1x16xf32> to vector<16xf32>
        %swap3A_272 = vector.shape_cast %add3A_267 : vector<16xf32> to vector<1x16xf32>
        tpu.vector_store %arg12[%swap3A_268, %swap3A_269], %swap3A_272 {strides = array<i32>} : memref<200x128xf32, #tpu.memory_space<vmem>>, vector<1x16xf32>,
        %add3A_273 = arith.addf %bitcast_convert_type3A_256, %bitcast_convert_type3A_232 : vector<16xf32>
        %swap3A_274 = arith.index_cast %scan3A_109 : i32 to index
        %swap3A_275 = arith.constant 64 : index
        %swap3A_276 = tpu.vector_load %arg13[%swap3A_274, %swap3A_275] {strides = array<i32>} : memref<200x128xf32, #tpu.memory_space<vmem>>, vector<1x16xf32>,
        %swap3A_277 = vector.shape_cast %swap3A_276 : vector<1x16xf32> to vector<16xf32>
        %swap3A_278 = vector.shape_cast %add3A_273 : vector<16xf32> to vector<1x16xf32>
        tpu.vector_store %arg13[%swap3A_274, %swap3A_275], %swap3A_278 {strides = array<i32>} : memref<200x128xf32, #tpu.memory_space<vmem>>, vector<1x16xf32>,
        %add3A_279 = arith.addf %bitcast_convert_type3A_260, %bitcast_convert_type3A_236 : vector<16xf32>
        %swap3A_280 = arith.index_cast %scan3A_109 : i32 to index
        %swap3A_281 = arith.constant 80 : index
        %swap3A_282 = tpu.vector_load %arg13[%swap3A_280, %swap3A_281] {strides = array<i32>} : memref<200x128xf32, #tpu.memory_space<vmem>>, vector<1x16xf32>,
        %swap3A_283 = vector.shape_cast %swap3A_282 : vector<1x16xf32> to vector<16xf32>
        %swap3A_284 = vector.shape_cast %add3A_279 : vector<16xf32> to vector<1x16xf32>
        tpu.vector_store %arg13[%swap3A_280, %swap3A_281], %swap3A_284 {strides = array<i32>} : memref<200x128xf32, #tpu.memory_space<vmem>>, vector<1x16xf32>,
        %get3A_285 = arith.index_cast %scan3A_109 : i32 to index
        %get3A_286 = arith.constant 48 : index
        %get3A_287 = tpu.vector_load %arg11[%get3A_285, %get3A_286] {strides = array<i32>} : memref<200x128xi32, #tpu.memory_space<vmem>>, vector<1x16xi32>,
        %get3A_288 = vector.shape_cast %get3A_287 : vector<1x16xi32> to vector<16xi32>
        %shift_left3A_289 = arith.constant 16 : i32
        %shift_left3A_290 = vector.broadcast %shift_left3A_289 : i32 to vector<16xi32>
        %shift_left3A_291 = arith.shli %get3A_288, %shift_left3A_290 : vector<16xi32>
        %bitcast_convert_type3A_292 = tpu.bitcast %shift_left3A_291 : vector<16xi32> -> vector<16xf32>
        %and3A_293 = arith.constant -65536 : i32
        %and3A_294 = vector.broadcast %and3A_293 : i32 to vector<16xi32>
        %and3A_295 = arith.andi %get3A_288, %and3A_294 : vector<16xi32>
        %bitcast_convert_type3A_296 = tpu.bitcast %and3A_295 : vector<16xi32> -> vector<16xf32>
        %get3A_297 = arith.index_cast %scan3A_109 : i32 to index
        %get3A_298 = arith.constant 48 : index
        %get3A_299 = tpu.vector_load %arg9[%get3A_297, %get3A_298] {strides = array<i32>} : memref<200x128xi32, #tpu.memory_space<vmem>>, vector<1x16xi32>,
        %get3A_300 = vector.shape_cast %get3A_299 : vector<1x16xi32> to vector<16xi32>
        %shift_left3A_301 = arith.constant 16 : i32
        %shift_left3A_302 = vector.broadcast %shift_left3A_301 : i32 to vector<16xi32>
        %shift_left3A_303 = arith.shli %get3A_300, %shift_left3A_302 : vector<16xi32>
        %bitcast_convert_type3A_304 = tpu.bitcast %shift_left3A_303 : vector<16xi32> -> vector<16xf32>
        %and3A_305 = arith.constant -65536 : i32
        %and3A_306 = vector.broadcast %and3A_305 : i32 to vector<16xi32>
        %and3A_307 = arith.andi %get3A_300, %and3A_306 : vector<16xi32>
        %bitcast_convert_type3A_308 = tpu.bitcast %and3A_307 : vector<16xi32> -> vector<16xf32>
        %get3A_309 = arith.index_cast %scan3A_109 : i32 to index
        %get3A_310 = arith.constant 112 : index
        %get3A_311 = tpu.vector_load %arg9[%get3A_309, %get3A_310] {strides = array<i32>} : memref<200x128xi32, #tpu.memory_space<vmem>>, vector<1x16xi32>,
        %get3A_312 = vector.shape_cast %get3A_311 : vector<1x16xi32> to vector<16xi32>
        %shift_left3A_313 = arith.constant 16 : i32
        %shift_left3A_314 = vector.broadcast %shift_left3A_313 : i32 to vector<16xi32>
        %shift_left3A_315 = arith.shli %get3A_312, %shift_left3A_314 : vector<16xi32>
        %bitcast_convert_type3A_316 = tpu.bitcast %shift_left3A_315 : vector<16xi32> -> vector<16xf32>
        %and3A_317 = arith.constant -65536 : i32
        %and3A_318 = vector.broadcast %and3A_317 : i32 to vector<16xi32>
        %and3A_319 = arith.andi %get3A_312, %and3A_318 : vector<16xi32>
        %bitcast_convert_type3A_320 = tpu.bitcast %and3A_319 : vector<16xi32> -> vector<16xf32>
        %add3A_321 = arith.addf %bitcast_convert_type3A_304, %bitcast_convert_type3A_292 : vector<16xf32>
        %swap3A_322 = arith.index_cast %scan3A_109 : i32 to index
        %swap3A_323 = arith.constant 96 : index
        %swap3A_324 = tpu.vector_load %arg12[%swap3A_322, %swap3A_323] {strides = array<i32>} : memref<200x128xf32, #tpu.memory_space<vmem>>, vector<1x16xf32>,
        %swap3A_325 = vector.shape_cast %swap3A_324 : vector<1x16xf32> to vector<16xf32>
        %swap3A_326 = vector.shape_cast %add3A_321 : vector<16xf32> to vector<1x16xf32>
        tpu.vector_store %arg12[%swap3A_322, %swap3A_323], %swap3A_326 {strides = array<i32>} : memref<200x128xf32, #tpu.memory_space<vmem>>, vector<1x16xf32>,
        %add3A_327 = arith.addf %bitcast_convert_type3A_308, %bitcast_convert_type3A_296 : vector<16xf32>
        %swap3A_328 = arith.index_cast %scan3A_109 : i32 to index
        %swap3A_329 = arith.constant 112 : index
        %swap3A_330 = tpu.vector_load %arg12[%swap3A_328, %swap3A_329] {strides = array<i32>} : memref<200x128xf32, #tpu.memory_space<vmem>>, vector<1x16xf32>,
        %swap3A_331 = vector.shape_cast %swap3A_330 : vector<1x16xf32> to vector<16xf32>
        %swap3A_332 = vector.shape_cast %add3A_327 : vector<16xf32> to vector<1x16xf32>
        tpu.vector_store %arg12[%swap3A_328, %swap3A_329], %swap3A_332 {strides = array<i32>} : memref<200x128xf32, #tpu.memory_space<vmem>>, vector<1x16xf32>,
        %add3A_333 = arith.addf %bitcast_convert_type3A_316, %bitcast_convert_type3A_292 : vector<16xf32>
        %swap3A_334 = arith.index_cast %scan3A_109 : i32 to index
        %swap3A_335 = arith.constant 96 : index
        %swap3A_336 = tpu.vector_load %arg13[%swap3A_334, %swap3A_335] {strides = array<i32>} : memref<200x128xf32, #tpu.memory_space<vmem>>, vector<1x16xf32>,
        %swap3A_337 = vector.shape_cast %swap3A_336 : vector<1x16xf32> to vector<16xf32>
        %swap3A_338 = vector.shape_cast %add3A_333 : vector<16xf32> to vector<1x16xf32>
        tpu.vector_store %arg13[%swap3A_334, %swap3A_335], %swap3A_338 {strides = array<i32>} : memref<200x128xf32, #tpu.memory_space<vmem>>, vector<1x16xf32>,
        %add3A_339 = arith.addf %bitcast_convert_type3A_320, %bitcast_convert_type3A_296 : vector<16xf32>
        %swap3A_340 = arith.index_cast %scan3A_109 : i32 to index
        %swap3A_341 = arith.constant 112 : index
        %swap3A_342 = tpu.vector_load %arg13[%swap3A_340, %swap3A_341] {strides = array<i32>} : memref<200x128xf32, #tpu.memory_space<vmem>>, vector<1x16xf32>,
        %swap3A_343 = vector.shape_cast %swap3A_342 : vector<1x16xf32> to vector<16xf32>
        %swap3A_344 = vector.shape_cast %add3A_339 : vector<16xf32> to vector<1x16xf32>
        tpu.vector_store %arg13[%swap3A_340, %swap3A_341], %swap3A_344 {strides = array<i32>} : memref<200x128xf32, #tpu.memory_space<vmem>>, vector<1x16xf32>,
      }
      %scan3A_63 = arith.constant 200 : i32
      %dma_start3A_64 = arith.constant 0 : i32
      %dma_start3A_65 = tpu.memref_slice %arg5[%add3A_45, %dma_start3A_64] : memref<204800x128xf32, #tpu.memory_space<hbm>> -> memref<200x128xf32, #tpu.memory_space<hbm>>
      %dma_start3A_66 = arith.constant 0 : i32
      %dma_start3A_67 = tpu.memref_slice %arg5[%add3A_45, %dma_start3A_66] : memref<204800x128xf32, #tpu.memory_space<hbm>> -> memref<200x128xf32, #tpu.memory_space<hbm>>
      tpu.enqueue_dma source(%arg12 : memref<200x128xf32, #tpu.memory_space<vmem>>) target(%dma_start3A_67 : memref<200x128xf32, #tpu.memory_space<hbm>>) target_semaphore(%arg16 : memref<!tpu.dma_semaphore, #tpu.memory_space<semaphore_mem>>)
      %dma_start3A_68 = arith.constant 0 : i32
      %dma_start3A_69 = tpu.memref_slice %arg6[%add3A_45, %dma_start3A_68] : memref<204800x128xf32, #tpu.memory_space<hbm>> -> memref<200x128xf32, #tpu.memory_space<hbm>>
      %dma_start3A_70 = arith.constant 0 : i32
      %dma_start3A_71 = tpu.memref_slice %arg6[%add3A_45, %dma_start3A_70] : memref<204800x128xf32, #tpu.memory_space<hbm>> -> memref<200x128xf32, #tpu.memory_space<hbm>>
      tpu.enqueue_dma source(%arg13 : memref<200x128xf32, #tpu.memory_space<vmem>>) target(%dma_start3A_71 : memref<200x128xf32, #tpu.memory_space<hbm>>) target_semaphore(%arg16 : memref<!tpu.dma_semaphore, #tpu.memory_space<semaphore_mem>>)
      %mul3A_72 = arith.constant 2 : i32
      %mul3A_73 = arith.muli %mul3A_72, %scan3A_38 : i32
      %add3A_74 = arith.constant 1 : i32
      %add3A_75 = arith.addi %mul3A_73, %add3A_74 : i32
      %mul3A_76 = arith.constant 200 : i32
      %mul3A_77 = arith.muli %add3A_75, %mul3A_76 : i32
      %add3A_78 = arith.addi %mul3A_4, %mul3A_77 : i32
      %lt3A_79 = arith.constant 31 : i32
      %lt3A_80 = arith.cmpi slt, %add3A_75, %lt3A_79 : i32
      %convert_element_type3A_81 = arith.extui %lt3A_80 : i1 to i32
      %cond3A_82 = arith.constant 0 : i32
      %cond3A_83 = arith.cmpi ne, %convert_element_type3A_81, %cond3A_82 : i32
      scf.if %cond3A_83 {
        %add3A_109 = arith.constant 1 : i32
        %add3A_110 = arith.addi %add3A_75, %add3A_109 : i32
        %mul3A_111 = arith.constant 200 : i32
        %mul3A_112 = arith.muli %add3A_110, %mul3A_111 : i32
        %add3A_113 = arith.addi %mul3A_4, %mul3A_112 : i32
        "tpu.region"() ({
          %run_scoped3A = tpu.sem_alloc : memref<!tpu.dma_semaphore, #tpu.memory_space<semaphore_mem>>
          %dma_start3A_130 = tpu.memref_slice %arg4[%add3A_113] : memref<204800xi32, #tpu.memory_space<hbm>> -> memref<200xi32, #tpu.memory_space<hbm>>
          %dma_start3A_131 = tpu.memref_slice %arg4[%add3A_113] : memref<204800xi32, #tpu.memory_space<hbm>> -> memref<200xi32, #tpu.memory_space<hbm>>
          tpu.enqueue_dma source(%dma_start3A_131 : memref<200xi32, #tpu.memory_space<hbm>>) target(%arg7 : memref<200xi32, #tpu.memory_space<vmem>>) target_semaphore(%run_scoped3A : memref<!tpu.dma_semaphore, #tpu.memory_space<semaphore_mem>>)
          %dma_wait3A_132 = tpu.memref_slice %arg4[%add3A_113] : memref<204800xi32, #tpu.memory_space<hbm>> -> memref<200xi32, #tpu.memory_space<hbm>>
          %dma_wait3A_133 = tpu.memref_slice %arg4[%add3A_113] : memref<204800xi32, #tpu.memory_space<hbm>> -> memref<200xi32, #tpu.memory_space<hbm>>
          tpu.wait_dma2 semaphore(%run_scoped3A : memref<!tpu.dma_semaphore, #tpu.memory_space<semaphore_mem>>) src(%dma_wait3A_133 : memref<200xi32, #tpu.memory_space<hbm>>) dst(%arg7 : memref<200xi32, #tpu.memory_space<vmem>>)
          tpu.yield
        }) : () -> ()
        %dma_start3A_114 = arith.constant 0 : i32
        %dma_start3A_115 = arith.constant 0 : i32
        %dma_start3A_116 = tpu.memref_slice %arg9[%dma_start3A_114, %dma_start3A_115] : memref<200x128xi32, #tpu.memory_space<vmem>> -> memref<104x128xi32, #tpu.memory_space<vmem>>
        %dma_start3A_117 = arith.constant 0 : i32
        %dma_start3A_118 = tpu.memref_slice %arg7[%dma_start3A_117] : memref<200xi32, #tpu.memory_space<vmem>> -> memref<104xi32, #tpu.memory_space<vmem>>
        %dma_start3A_119 = arith.constant 0 : i32
        %dma_start3A_120 = arith.constant 0 : i32
        %dma_start3A_121 = tpu.memref_slice %arg2[%dma_start3A_119, %dma_start3A_120] : memref<100000x128xi32, #tpu.memory_space<hbm>> -> memref<100000x128xi32, #tpu.memory_space<hbm>>
        tpu.enqueue_indirect_dma source(%dma_start3A_121 : memref<100000x128xi32, #tpu.memory_space<hbm>>) target(%dma_start3A_116 : memref<104x128xi32, #tpu.memory_space<vmem>>) offsets(%dma_start3A_118 : memref<104xi32, #tpu.memory_space<vmem>>) semaphore(%arg14 : memref<!tpu.dma_semaphore, #tpu.memory_space<semaphore_mem>>)
        %dma_start3A_122 = arith.constant 104 : i32
        %dma_start3A_123 = arith.constant 0 : i32
        %dma_start3A_124 = tpu.memref_slice %arg9[%dma_start3A_122, %dma_start3A_123] : memref<200x128xi32, #tpu.memory_space<vmem>> -> memref<96x128xi32, #tpu.memory_space<vmem>>
        %dma_start3A_125 = arith.constant 104 : i32
        %dma_start3A_126 = tpu.memref_slice %arg7[%dma_start3A_125] : memref<200xi32, #tpu.memory_space<vmem>> -> memref<96xi32, #tpu.memory_space<vmem>>
        %dma_start3A_127 = arith.constant 0 : i32
        %dma_start3A_128 = arith.constant 0 : i32
        %dma_start3A_129 = tpu.memref_slice %arg2[%dma_start3A_127, %dma_start3A_128] : memref<100000x128xi32, #tpu.memory_space<hbm>> -> memref<100000x128xi32, #tpu.memory_space<hbm>>
        tpu.enqueue_indirect_dma source(%dma_start3A_129 : memref<100000x128xi32, #tpu.memory_space<hbm>>) target(%dma_start3A_124 : memref<96x128xi32, #tpu.memory_space<vmem>>) offsets(%dma_start3A_126 : memref<96xi32, #tpu.memory_space<vmem>>) semaphore(%arg14 : memref<!tpu.dma_semaphore, #tpu.memory_space<semaphore_mem>>)
      } else {
      }
      %dma_wait3A_84 = arith.constant 0 : i32
      %dma_wait3A_85 = arith.constant 0 : i32
      %dma_wait3A_86 = tpu.memref_slice %arg2[%dma_wait3A_84, %dma_wait3A_85] : memref<100000x128xi32, #tpu.memory_space<hbm>> -> memref<200x128xi32, #tpu.memory_space<hbm>>
      %dma_wait3A_87 = arith.constant 0 : i32
      %dma_wait3A_88 = arith.constant 0 : i32
      %dma_wait3A_89 = tpu.memref_slice %arg2[%dma_wait3A_87, %dma_wait3A_88] : memref<100000x128xi32, #tpu.memory_space<hbm>> -> memref<200x128xi32, #tpu.memory_space<hbm>>
      tpu.wait_dma2 semaphore(%arg15 : memref<!tpu.dma_semaphore, #tpu.memory_space<semaphore_mem>>) src(%dma_wait3A_89 : memref<200x128xi32, #tpu.memory_space<hbm>>) dst(%arg10 : memref<200x128xi32, #tpu.memory_space<vmem>>)
      %ge3A_90 = arith.constant 1 : i32
      %ge3A_91 = arith.cmpi sge, %add3A_75, %ge3A_90 : i32
      %convert_element_type3A_92 = arith.extui %ge3A_91 : i1 to i32
      %cond3A_93 = arith.constant 0 : i32
      %cond3A_94 = arith.cmpi ne, %convert_element_type3A_92, %cond3A_93 : i32
      scf.if %cond3A_94 {
        %dma_wait3A_109 = arith.constant 0 : i32
        %dma_wait3A_110 = arith.constant 0 : i32
        %dma_wait3A_111 = tpu.memref_slice %arg5[%dma_wait3A_109, %dma_wait3A_110] : memref<204800x128xf32, #tpu.memory_space<hbm>> -> memref<200x128xf32, #tpu.memory_space<hbm>>
        %dma_wait3A_112 = arith.constant 0 : i32
        %dma_wait3A_113 = arith.constant 0 : i32
        %dma_wait3A_114 = tpu.memref_slice %arg5[%dma_wait3A_112, %dma_wait3A_113] : memref<204800x128xf32, #tpu.memory_space<hbm>> -> memref<200x128xf32, #tpu.memory_space<hbm>>
        tpu.wait_dma2 semaphore(%arg16 : memref<!tpu.dma_semaphore, #tpu.memory_space<semaphore_mem>>) src(%arg12 : memref<200x128xf32, #tpu.memory_space<vmem>>) dst(%dma_wait3A_114 : memref<200x128xf32, #tpu.memory_space<hbm>>)
        %dma_wait3A_115 = arith.constant 0 : i32
        %dma_wait3A_116 = arith.constant 0 : i32
        %dma_wait3A_117 = tpu.memref_slice %arg6[%dma_wait3A_115, %dma_wait3A_116] : memref<204800x128xf32, #tpu.memory_space<hbm>> -> memref<200x128xf32, #tpu.memory_space<hbm>>
        %dma_wait3A_118 = arith.constant 0 : i32
        %dma_wait3A_119 = arith.constant 0 : i32
        %dma_wait3A_120 = tpu.memref_slice %arg6[%dma_wait3A_118, %dma_wait3A_119] : memref<204800x128xf32, #tpu.memory_space<hbm>> -> memref<200x128xf32, #tpu.memory_space<hbm>>
        tpu.wait_dma2 semaphore(%arg16 : memref<!tpu.dma_semaphore, #tpu.memory_space<semaphore_mem>>) src(%arg13 : memref<200x128xf32, #tpu.memory_space<vmem>>) dst(%dma_wait3A_120 : memref<200x128xf32, #tpu.memory_space<hbm>>)
      } else {
      }
      %scan3A_95 = arith.constant 0 : i32
      %scan3A_96 = arith.constant 0 : i32
      %scan3A_97 = arith.constant 200 : i32
      %scan3A_98 = arith.addi %scan3A_96, %scan3A_97 : i32
      %scan3A_99 = arith.constant 1 : i32
      scf.for %scan3A_109 = %scan3A_96 to %scan3A_98 step %scan3A_99  : i32 {
        %get3A = arith.index_cast %scan3A_109 : i32 to index
        %get3A_110 = arith.constant 0 : index
        %get3A_111 = tpu.vector_load %arg11[%get3A, %get3A_110] {strides = array<i32>} : memref<200x128xi32, #tpu.memory_space<vmem>>, vector<1x16xi32>,
        %get3A_112 = vector.shape_cast %get3A_111 : vector<1x16xi32> to vector<16xi32>
        %shift_left3A = arith.constant 16 : i32
        %shift_left3A_113 = vector.broadcast %shift_left3A : i32 to vector<16xi32>
        %shift_left3A_114 = arith.shli %get3A_112, %shift_left3A_113 : vector<16xi32>
        %bitcast_convert_type3A = tpu.bitcast %shift_left3A_114 : vector<16xi32> -> vector<16xf32>
        %and3A = arith.constant -65536 : i32
        %and3A_115 = vector.broadcast %and3A : i32 to vector<16xi32>
        %and3A_116 = arith.andi %get3A_112, %and3A_115 : vector<16xi32>
        %bitcast_convert_type3A_117 = tpu.bitcast %and3A_116 : vector<16xi32> -> vector<16xf32>
        %get3A_118 = arith.index_cast %scan3A_109 : i32 to index
        %get3A_119 = arith.constant 0 : index
        %get3A_120 = tpu.vector_load %arg10[%get3A_118, %get3A_119] {strides = array<i32>} : memref<200x128xi32, #tpu.memory_space<vmem>>, vector<1x16xi32>,
        %get3A_121 = vector.shape_cast %get3A_120 : vector<1x16xi32> to vector<16xi32>
        %shift_left3A_122 = arith.constant 16 : i32
        %shift_left3A_123 = vector.broadcast %shift_left3A_122 : i32 to vector<16xi32>
        %shift_left3A_124 = arith.shli %get3A_121, %shift_left3A_123 : vector<16xi32>
        %bitcast_convert_type3A_125 = tpu.bitcast %shift_left3A_124 : vector<16xi32> -> vector<16xf32>
        %and3A_126 = arith.constant -65536 : i32
        %and3A_127 = vector.broadcast %and3A_126 : i32 to vector<16xi32>
        %and3A_128 = arith.andi %get3A_121, %and3A_127 : vector<16xi32>
        %bitcast_convert_type3A_129 = tpu.bitcast %and3A_128 : vector<16xi32> -> vector<16xf32>
        %get3A_130 = arith.index_cast %scan3A_109 : i32 to index
        %get3A_131 = arith.constant 64 : index
        %get3A_132 = tpu.vector_load %arg10[%get3A_130, %get3A_131] {strides = array<i32>} : memref<200x128xi32, #tpu.memory_space<vmem>>, vector<1x16xi32>,
        %get3A_133 = vector.shape_cast %get3A_132 : vector<1x16xi32> to vector<16xi32>
        %shift_left3A_134 = arith.constant 16 : i32
        %shift_left3A_135 = vector.broadcast %shift_left3A_134 : i32 to vector<16xi32>
        %shift_left3A_136 = arith.shli %get3A_133, %shift_left3A_135 : vector<16xi32>
        %bitcast_convert_type3A_137 = tpu.bitcast %shift_left3A_136 : vector<16xi32> -> vector<16xf32>
        %and3A_138 = arith.constant -65536 : i32
        %and3A_139 = vector.broadcast %and3A_138 : i32 to vector<16xi32>
        %and3A_140 = arith.andi %get3A_133, %and3A_139 : vector<16xi32>
        %bitcast_convert_type3A_141 = tpu.bitcast %and3A_140 : vector<16xi32> -> vector<16xf32>
        %add3A_142 = arith.addf %bitcast_convert_type3A_125, %bitcast_convert_type3A : vector<16xf32>
        %swap3A = arith.index_cast %scan3A_109 : i32 to index
        %swap3A_143 = arith.constant 0 : index
        %swap3A_144 = tpu.vector_load %arg12[%swap3A, %swap3A_143] {strides = array<i32>} : memref<200x128xf32, #tpu.memory_space<vmem>>, vector<1x16xf32>,
        %swap3A_145 = vector.shape_cast %swap3A_144 : vector<1x16xf32> to vector<16xf32>
        %swap3A_146 = vector.shape_cast %add3A_142 : vector<16xf32> to vector<1x16xf32>
        tpu.vector_store %arg12[%swap3A, %swap3A_143], %swap3A_146 {strides = array<i32>} : memref<200x128xf32, #tpu.memory_space<vmem>>, vector<1x16xf32>,
        %add3A_147 = arith.addf %bitcast_convert_type3A_129, %bitcast_convert_type3A_117 : vector<16xf32>
        %swap3A_148 = arith.index_cast %scan3A_109 : i32 to index
        %swap3A_149 = arith.constant 16 : index
        %swap3A_150 = tpu.vector_load %arg12[%swap3A_148, %swap3A_149] {strides = array<i32>} : memref<200x128xf32, #tpu.memory_space<vmem>>, vector<1x16xf32>,
        %swap3A_151 = vector.shape_cast %swap3A_150 : vector<1x16xf32> to vector<16xf32>
        %swap3A_152 = vector.shape_cast %add3A_147 : vector<16xf32> to vector<1x16xf32>
        tpu.vector_store %arg12[%swap3A_148, %swap3A_149], %swap3A_152 {strides = array<i32>} : memref<200x128xf32, #tpu.memory_space<vmem>>, vector<1x16xf32>,
        %add3A_153 = arith.addf %bitcast_convert_type3A_137, %bitcast_convert_type3A : vector<16xf32>
        %swap3A_154 = arith.index_cast %scan3A_109 : i32 to index
        %swap3A_155 = arith.constant 0 : index
        %swap3A_156 = tpu.vector_load %arg13[%swap3A_154, %swap3A_155] {strides = array<i32>} : memref<200x128xf32, #tpu.memory_space<vmem>>, vector<1x16xf32>,
        %swap3A_157 = vector.shape_cast %swap3A_156 : vector<1x16xf32> to vector<16xf32>
        %swap3A_158 = vector.shape_cast %add3A_153 : vector<16xf32> to vector<1x16xf32>
        tpu.vector_store %arg13[%swap3A_154, %swap3A_155], %swap3A_158 {strides = array<i32>} : memref<200x128xf32, #tpu.memory_space<vmem>>, vector<1x16xf32>,
        %add3A_159 = arith.addf %bitcast_convert_type3A_141, %bitcast_convert_type3A_117 : vector<16xf32>
        %swap3A_160 = arith.index_cast %scan3A_109 : i32 to index
        %swap3A_161 = arith.constant 16 : index
        %swap3A_162 = tpu.vector_load %arg13[%swap3A_160, %swap3A_161] {strides = array<i32>} : memref<200x128xf32, #tpu.memory_space<vmem>>, vector<1x16xf32>,
        %swap3A_163 = vector.shape_cast %swap3A_162 : vector<1x16xf32> to vector<16xf32>
        %swap3A_164 = vector.shape_cast %add3A_159 : vector<16xf32> to vector<1x16xf32>
        tpu.vector_store %arg13[%swap3A_160, %swap3A_161], %swap3A_164 {strides = array<i32>} : memref<200x128xf32, #tpu.memory_space<vmem>>, vector<1x16xf32>,
        %get3A_165 = arith.index_cast %scan3A_109 : i32 to index
        %get3A_166 = arith.constant 16 : index
        %get3A_167 = tpu.vector_load %arg11[%get3A_165, %get3A_166] {strides = array<i32>} : memref<200x128xi32, #tpu.memory_space<vmem>>, vector<1x16xi32>,
        %get3A_168 = vector.shape_cast %get3A_167 : vector<1x16xi32> to vector<16xi32>
        %shift_left3A_169 = arith.constant 16 : i32
        %shift_left3A_170 = vector.broadcast %shift_left3A_169 : i32 to vector<16xi32>
        %shift_left3A_171 = arith.shli %get3A_168, %shift_left3A_170 : vector<16xi32>
        %bitcast_convert_type3A_172 = tpu.bitcast %shift_left3A_171 : vector<16xi32> -> vector<16xf32>
        %and3A_173 = arith.constant -65536 : i32
        %and3A_174 = vector.broadcast %and3A_173 : i32 to vector<16xi32>
        %and3A_175 = arith.andi %get3A_168, %and3A_174 : vector<16xi32>
        %bitcast_convert_type3A_176 = tpu.bitcast %and3A_175 : vector<16xi32> -> vector<16xf32>
        %get3A_177 = arith.index_cast %scan3A_109 : i32 to index
        %get3A_178 = arith.constant 16 : index
        %get3A_179 = tpu.vector_load %arg10[%get3A_177, %get3A_178] {strides = array<i32>} : memref<200x128xi32, #tpu.memory_space<vmem>>, vector<1x16xi32>,
        %get3A_180 = vector.shape_cast %get3A_179 : vector<1x16xi32> to vector<16xi32>
        %shift_left3A_181 = arith.constant 16 : i32
        %shift_left3A_182 = vector.broadcast %shift_left3A_181 : i32 to vector<16xi32>
        %shift_left3A_183 = arith.shli %get3A_180, %shift_left3A_182 : vector<16xi32>
        %bitcast_convert_type3A_184 = tpu.bitcast %shift_left3A_183 : vector<16xi32> -> vector<16xf32>
        %and3A_185 = arith.constant -65536 : i32
        %and3A_186 = vector.broadcast %and3A_185 : i32 to vector<16xi32>
        %and3A_187 = arith.andi %get3A_180, %and3A_186 : vector<16xi32>
        %bitcast_convert_type3A_188 = tpu.bitcast %and3A_187 : vector<16xi32> -> vector<16xf32>
        %get3A_189 = arith.index_cast %scan3A_109 : i32 to index
        %get3A_190 = arith.constant 80 : index
        %get3A_191 = tpu.vector_load %arg10[%get3A_189, %get3A_190] {strides = array<i32>} : memref<200x128xi32, #tpu.memory_space<vmem>>, vector<1x16xi32>,
        %get3A_192 = vector.shape_cast %get3A_191 : vector<1x16xi32> to vector<16xi32>
        %shift_left3A_193 = arith.constant 16 : i32
        %shift_left3A_194 = vector.broadcast %shift_left3A_193 : i32 to vector<16xi32>
        %shift_left3A_195 = arith.shli %get3A_192, %shift_left3A_194 : vector<16xi32>
        %bitcast_convert_type3A_196 = tpu.bitcast %shift_left3A_195 : vector<16xi32> -> vector<16xf32>
        %and3A_197 = arith.constant -65536 : i32
        %and3A_198 = vector.broadcast %and3A_197 : i32 to vector<16xi32>
        %and3A_199 = arith.andi %get3A_192, %and3A_198 : vector<16xi32>
        %bitcast_convert_type3A_200 = tpu.bitcast %and3A_199 : vector<16xi32> -> vector<16xf32>
        %add3A_201 = arith.addf %bitcast_convert_type3A_184, %bitcast_convert_type3A_172 : vector<16xf32>
        %swap3A_202 = arith.index_cast %scan3A_109 : i32 to index
        %swap3A_203 = arith.constant 32 : index
        %swap3A_204 = tpu.vector_load %arg12[%swap3A_202, %swap3A_203] {strides = array<i32>} : memref<200x128xf32, #tpu.memory_space<vmem>>, vector<1x16xf32>,
        %swap3A_205 = vector.shape_cast %swap3A_204 : vector<1x16xf32> to vector<16xf32>
        %swap3A_206 = vector.shape_cast %add3A_201 : vector<16xf32> to vector<1x16xf32>
        tpu.vector_store %arg12[%swap3A_202, %swap3A_203], %swap3A_206 {strides = array<i32>} : memref<200x128xf32, #tpu.memory_space<vmem>>, vector<1x16xf32>,
        %add3A_207 = arith.addf %bitcast_convert_type3A_188, %bitcast_convert_type3A_176 : vector<16xf32>
        %swap3A_208 = arith.index_cast %scan3A_109 : i32 to index
        %swap3A_209 = arith.constant 48 : index
        %swap3A_210 = tpu.vector_load %arg12[%swap3A_208, %swap3A_209] {strides = array<i32>} : memref<200x128xf32, #tpu.memory_space<vmem>>, vector<1x16xf32>,
        %swap3A_211 = vector.shape_cast %swap3A_210 : vector<1x16xf32> to vector<16xf32>
        %swap3A_212 = vector.shape_cast %add3A_207 : vector<16xf32> to vector<1x16xf32>
        tpu.vector_store %arg12[%swap3A_208, %swap3A_209], %swap3A_212 {strides = array<i32>} : memref<200x128xf32, #tpu.memory_space<vmem>>, vector<1x16xf32>,
        %add3A_213 = arith.addf %bitcast_convert_type3A_196, %bitcast_convert_type3A_172 : vector<16xf32>
        %swap3A_214 = arith.index_cast %scan3A_109 : i32 to index
        %swap3A_215 = arith.constant 32 : index
        %swap3A_216 = tpu.vector_load %arg13[%swap3A_214, %swap3A_215] {strides = array<i32>} : memref<200x128xf32, #tpu.memory_space<vmem>>, vector<1x16xf32>,
        %swap3A_217 = vector.shape_cast %swap3A_216 : vector<1x16xf32> to vector<16xf32>
        %swap3A_218 = vector.shape_cast %add3A_213 : vector<16xf32> to vector<1x16xf32>
        tpu.vector_store %arg13[%swap3A_214, %swap3A_215], %swap3A_218 {strides = array<i32>} : memref<200x128xf32, #tpu.memory_space<vmem>>, vector<1x16xf32>,
        %add3A_219 = arith.addf %bitcast_convert_type3A_200, %bitcast_convert_type3A_176 : vector<16xf32>
        %swap3A_220 = arith.index_cast %scan3A_109 : i32 to index
        %swap3A_221 = arith.constant 48 : index
        %swap3A_222 = tpu.vector_load %arg13[%swap3A_220, %swap3A_221] {strides = array<i32>} : memref<200x128xf32, #tpu.memory_space<vmem>>, vector<1x16xf32>,
        %swap3A_223 = vector.shape_cast %swap3A_222 : vector<1x16xf32> to vector<16xf32>
        %swap3A_224 = vector.shape_cast %add3A_219 : vector<16xf32> to vector<1x16xf32>
        tpu.vector_store %arg13[%swap3A_220, %swap3A_221], %swap3A_224 {strides = array<i32>} : memref<200x128xf32, #tpu.memory_space<vmem>>, vector<1x16xf32>,
        %get3A_225 = arith.index_cast %scan3A_109 : i32 to index
        %get3A_226 = arith.constant 32 : index
        %get3A_227 = tpu.vector_load %arg11[%get3A_225, %get3A_226] {strides = array<i32>} : memref<200x128xi32, #tpu.memory_space<vmem>>, vector<1x16xi32>,
        %get3A_228 = vector.shape_cast %get3A_227 : vector<1x16xi32> to vector<16xi32>
        %shift_left3A_229 = arith.constant 16 : i32
        %shift_left3A_230 = vector.broadcast %shift_left3A_229 : i32 to vector<16xi32>
        %shift_left3A_231 = arith.shli %get3A_228, %shift_left3A_230 : vector<16xi32>
        %bitcast_convert_type3A_232 = tpu.bitcast %shift_left3A_231 : vector<16xi32> -> vector<16xf32>
        %and3A_233 = arith.constant -65536 : i32
        %and3A_234 = vector.broadcast %and3A_233 : i32 to vector<16xi32>
        %and3A_235 = arith.andi %get3A_228, %and3A_234 : vector<16xi32>
        %bitcast_convert_type3A_236 = tpu.bitcast %and3A_235 : vector<16xi32> -> vector<16xf32>
        %get3A_237 = arith.index_cast %scan3A_109 : i32 to index
        %get3A_238 = arith.constant 32 : index
        %get3A_239 = tpu.vector_load %arg10[%get3A_237, %get3A_238] {strides = array<i32>} : memref<200x128xi32, #tpu.memory_space<vmem>>, vector<1x16xi32>,
        %get3A_240 = vector.shape_cast %get3A_239 : vector<1x16xi32> to vector<16xi32>
        %shift_left3A_241 = arith.constant 16 : i32
        %shift_left3A_242 = vector.broadcast %shift_left3A_241 : i32 to vector<16xi32>
        %shift_left3A_243 = arith.shli %get3A_240, %shift_left3A_242 : vector<16xi32>
        %bitcast_convert_type3A_244 = tpu.bitcast %shift_left3A_243 : vector<16xi32> -> vector<16xf32>
        %and3A_245 = arith.constant -65536 : i32
        %and3A_246 = vector.broadcast %and3A_245 : i32 to vector<16xi32>
        %and3A_247 = arith.andi %get3A_240, %and3A_246 : vector<16xi32>
        %bitcast_convert_type3A_248 = tpu.bitcast %and3A_247 : vector<16xi32> -> vector<16xf32>
        %get3A_249 = arith.index_cast %scan3A_109 : i32 to index
        %get3A_250 = arith.constant 96 : index
        %get3A_251 = tpu.vector_load %arg10[%get3A_249, %get3A_250] {strides = array<i32>} : memref<200x128xi32, #tpu.memory_space<vmem>>, vector<1x16xi32>,
        %get3A_252 = vector.shape_cast %get3A_251 : vector<1x16xi32> to vector<16xi32>
        %shift_left3A_253 = arith.constant 16 : i32
        %shift_left3A_254 = vector.broadcast %shift_left3A_253 : i32 to vector<16xi32>
        %shift_left3A_255 = arith.shli %get3A_252, %shift_left3A_254 : vector<16xi32>
        %bitcast_convert_type3A_256 = tpu.bitcast %shift_left3A_255 : vector<16xi32> -> vector<16xf32>
        %and3A_257 = arith.constant -65536 : i32
        %and3A_258 = vector.broadcast %and3A_257 : i32 to vector<16xi32>
        %and3A_259 = arith.andi %get3A_252, %and3A_258 : vector<16xi32>
        %bitcast_convert_type3A_260 = tpu.bitcast %and3A_259 : vector<16xi32> -> vector<16xf32>
        %add3A_261 = arith.addf %bitcast_convert_type3A_244, %bitcast_convert_type3A_232 : vector<16xf32>
        %swap3A_262 = arith.index_cast %scan3A_109 : i32 to index
        %swap3A_263 = arith.constant 64 : index
        %swap3A_264 = tpu.vector_load %arg12[%swap3A_262, %swap3A_263] {strides = array<i32>} : memref<200x128xf32, #tpu.memory_space<vmem>>, vector<1x16xf32>,
        %swap3A_265 = vector.shape_cast %swap3A_264 : vector<1x16xf32> to vector<16xf32>
        %swap3A_266 = vector.shape_cast %add3A_261 : vector<16xf32> to vector<1x16xf32>
        tpu.vector_store %arg12[%swap3A_262, %swap3A_263], %swap3A_266 {strides = array<i32>} : memref<200x128xf32, #tpu.memory_space<vmem>>, vector<1x16xf32>,
        %add3A_267 = arith.addf %bitcast_convert_type3A_248, %bitcast_convert_type3A_236 : vector<16xf32>
        %swap3A_268 = arith.index_cast %scan3A_109 : i32 to index
        %swap3A_269 = arith.constant 80 : index
        %swap3A_270 = tpu.vector_load %arg12[%swap3A_268, %swap3A_269] {strides = array<i32>} : memref<200x128xf32, #tpu.memory_space<vmem>>, vector<1x16xf32>,
        %swap3A_271 = vector.shape_cast %swap3A_270 : vector<1x16xf32> to vector<16xf32>
        %swap3A_272 = vector.shape_cast %add3A_267 : vector<16xf32> to vector<1x16xf32>
        tpu.vector_store %arg12[%swap3A_268, %swap3A_269], %swap3A_272 {strides = array<i32>} : memref<200x128xf32, #tpu.memory_space<vmem>>, vector<1x16xf32>,
        %add3A_273 = arith.addf %bitcast_convert_type3A_256, %bitcast_convert_type3A_232 : vector<16xf32>
        %swap3A_274 = arith.index_cast %scan3A_109 : i32 to index
        %swap3A_275 = arith.constant 64 : index
        %swap3A_276 = tpu.vector_load %arg13[%swap3A_274, %swap3A_275] {strides = array<i32>} : memref<200x128xf32, #tpu.memory_space<vmem>>, vector<1x16xf32>,
        %swap3A_277 = vector.shape_cast %swap3A_276 : vector<1x16xf32> to vector<16xf32>
        %swap3A_278 = vector.shape_cast %add3A_273 : vector<16xf32> to vector<1x16xf32>
        tpu.vector_store %arg13[%swap3A_274, %swap3A_275], %swap3A_278 {strides = array<i32>} : memref<200x128xf32, #tpu.memory_space<vmem>>, vector<1x16xf32>,
        %add3A_279 = arith.addf %bitcast_convert_type3A_260, %bitcast_convert_type3A_236 : vector<16xf32>
        %swap3A_280 = arith.index_cast %scan3A_109 : i32 to index
        %swap3A_281 = arith.constant 80 : index
        %swap3A_282 = tpu.vector_load %arg13[%swap3A_280, %swap3A_281] {strides = array<i32>} : memref<200x128xf32, #tpu.memory_space<vmem>>, vector<1x16xf32>,
        %swap3A_283 = vector.shape_cast %swap3A_282 : vector<1x16xf32> to vector<16xf32>
        %swap3A_284 = vector.shape_cast %add3A_279 : vector<16xf32> to vector<1x16xf32>
        tpu.vector_store %arg13[%swap3A_280, %swap3A_281], %swap3A_284 {strides = array<i32>} : memref<200x128xf32, #tpu.memory_space<vmem>>, vector<1x16xf32>,
        %get3A_285 = arith.index_cast %scan3A_109 : i32 to index
        %get3A_286 = arith.constant 48 : index
        %get3A_287 = tpu.vector_load %arg11[%get3A_285, %get3A_286] {strides = array<i32>} : memref<200x128xi32, #tpu.memory_space<vmem>>, vector<1x16xi32>,
        %get3A_288 = vector.shape_cast %get3A_287 : vector<1x16xi32> to vector<16xi32>
        %shift_left3A_289 = arith.constant 16 : i32
        %shift_left3A_290 = vector.broadcast %shift_left3A_289 : i32 to vector<16xi32>
        %shift_left3A_291 = arith.shli %get3A_288, %shift_left3A_290 : vector<16xi32>
        %bitcast_convert_type3A_292 = tpu.bitcast %shift_left3A_291 : vector<16xi32> -> vector<16xf32>
        %and3A_293 = arith.constant -65536 : i32
        %and3A_294 = vector.broadcast %and3A_293 : i32 to vector<16xi32>
        %and3A_295 = arith.andi %get3A_288, %and3A_294 : vector<16xi32>
        %bitcast_convert_type3A_296 = tpu.bitcast %and3A_295 : vector<16xi32> -> vector<16xf32>
        %get3A_297 = arith.index_cast %scan3A_109 : i32 to index
        %get3A_298 = arith.constant 48 : index
        %get3A_299 = tpu.vector_load %arg10[%get3A_297, %get3A_298] {strides = array<i32>} : memref<200x128xi32, #tpu.memory_space<vmem>>, vector<1x16xi32>,
        %get3A_300 = vector.shape_cast %get3A_299 : vector<1x16xi32> to vector<16xi32>
        %shift_left3A_301 = arith.constant 16 : i32
        %shift_left3A_302 = vector.broadcast %shift_left3A_301 : i32 to vector<16xi32>
        %shift_left3A_303 = arith.shli %get3A_300, %shift_left3A_302 : vector<16xi32>
        %bitcast_convert_type3A_304 = tpu.bitcast %shift_left3A_303 : vector<16xi32> -> vector<16xf32>
        %and3A_305 = arith.constant -65536 : i32
        %and3A_306 = vector.broadcast %and3A_305 : i32 to vector<16xi32>
        %and3A_307 = arith.andi %get3A_300, %and3A_306 : vector<16xi32>
        %bitcast_convert_type3A_308 = tpu.bitcast %and3A_307 : vector<16xi32> -> vector<16xf32>
        %get3A_309 = arith.index_cast %scan3A_109 : i32 to index
        %get3A_310 = arith.constant 112 : index
        %get3A_311 = tpu.vector_load %arg10[%get3A_309, %get3A_310] {strides = array<i32>} : memref<200x128xi32, #tpu.memory_space<vmem>>, vector<1x16xi32>,
        %get3A_312 = vector.shape_cast %get3A_311 : vector<1x16xi32> to vector<16xi32>
        %shift_left3A_313 = arith.constant 16 : i32
        %shift_left3A_314 = vector.broadcast %shift_left3A_313 : i32 to vector<16xi32>
        %shift_left3A_315 = arith.shli %get3A_312, %shift_left3A_314 : vector<16xi32>
        %bitcast_convert_type3A_316 = tpu.bitcast %shift_left3A_315 : vector<16xi32> -> vector<16xf32>
        %and3A_317 = arith.constant -65536 : i32
        %and3A_318 = vector.broadcast %and3A_317 : i32 to vector<16xi32>
        %and3A_319 = arith.andi %get3A_312, %and3A_318 : vector<16xi32>
        %bitcast_convert_type3A_320 = tpu.bitcast %and3A_319 : vector<16xi32> -> vector<16xf32>
        %add3A_321 = arith.addf %bitcast_convert_type3A_304, %bitcast_convert_type3A_292 : vector<16xf32>
        %swap3A_322 = arith.index_cast %scan3A_109 : i32 to index
        %swap3A_323 = arith.constant 96 : index
        %swap3A_324 = tpu.vector_load %arg12[%swap3A_322, %swap3A_323] {strides = array<i32>} : memref<200x128xf32, #tpu.memory_space<vmem>>, vector<1x16xf32>,
        %swap3A_325 = vector.shape_cast %swap3A_324 : vector<1x16xf32> to vector<16xf32>
        %swap3A_326 = vector.shape_cast %add3A_321 : vector<16xf32> to vector<1x16xf32>
        tpu.vector_store %arg12[%swap3A_322, %swap3A_323], %swap3A_326 {strides = array<i32>} : memref<200x128xf32, #tpu.memory_space<vmem>>, vector<1x16xf32>,
        %add3A_327 = arith.addf %bitcast_convert_type3A_308, %bitcast_convert_type3A_296 : vector<16xf32>
        %swap3A_328 = arith.index_cast %scan3A_109 : i32 to index
        %swap3A_329 = arith.constant 112 : index
        %swap3A_330 = tpu.vector_load %arg12[%swap3A_328, %swap3A_329] {strides = array<i32>} : memref<200x128xf32, #tpu.memory_space<vmem>>, vector<1x16xf32>,
        %swap3A_331 = vector.shape_cast %swap3A_330 : vector<1x16xf32> to vector<16xf32>
        %swap3A_332 = vector.shape_cast %add3A_327 : vector<16xf32> to vector<1x16xf32>
        tpu.vector_store %arg12[%swap3A_328, %swap3A_329], %swap3A_332 {strides = array<i32>} : memref<200x128xf32, #tpu.memory_space<vmem>>, vector<1x16xf32>,
        %add3A_333 = arith.addf %bitcast_convert_type3A_316, %bitcast_convert_type3A_292 : vector<16xf32>
        %swap3A_334 = arith.index_cast %scan3A_109 : i32 to index
        %swap3A_335 = arith.constant 96 : index
        %swap3A_336 = tpu.vector_load %arg13[%swap3A_334, %swap3A_335] {strides = array<i32>} : memref<200x128xf32, #tpu.memory_space<vmem>>, vector<1x16xf32>,
        %swap3A_337 = vector.shape_cast %swap3A_336 : vector<1x16xf32> to vector<16xf32>
        %swap3A_338 = vector.shape_cast %add3A_333 : vector<16xf32> to vector<1x16xf32>
        tpu.vector_store %arg13[%swap3A_334, %swap3A_335], %swap3A_338 {strides = array<i32>} : memref<200x128xf32, #tpu.memory_space<vmem>>, vector<1x16xf32>,
        %add3A_339 = arith.addf %bitcast_convert_type3A_320, %bitcast_convert_type3A_296 : vector<16xf32>
        %swap3A_340 = arith.index_cast %scan3A_109 : i32 to index
        %swap3A_341 = arith.constant 112 : index
        %swap3A_342 = tpu.vector_load %arg13[%swap3A_340, %swap3A_341] {strides = array<i32>} : memref<200x128xf32, #tpu.memory_space<vmem>>, vector<1x16xf32>,
        %swap3A_343 = vector.shape_cast %swap3A_342 : vector<1x16xf32> to vector<16xf32>
        %swap3A_344 = vector.shape_cast %add3A_339 : vector<16xf32> to vector<1x16xf32>
        tpu.vector_store %arg13[%swap3A_340, %swap3A_341], %swap3A_344 {strides = array<i32>} : memref<200x128xf32, #tpu.memory_space<vmem>>, vector<1x16xf32>,
      }
      %scan3A_100 = arith.constant 200 : i32
      %dma_start3A_101 = arith.constant 0 : i32
      %dma_start3A_102 = tpu.memref_slice %arg5[%add3A_78, %dma_start3A_101] : memref<204800x128xf32, #tpu.memory_space<hbm>> -> memref<200x128xf32, #tpu.memory_space<hbm>>
      %dma_start3A_103 = arith.constant 0 : i32
      %dma_start3A_104 = tpu.memref_slice %arg5[%add3A_78, %dma_start3A_103] : memref<204800x128xf32, #tpu.memory_space<hbm>> -> memref<200x128xf32, #tpu.memory_space<hbm>>
      tpu.enqueue_dma source(%arg12 : memref<200x128xf32, #tpu.memory_space<vmem>>) target(%dma_start3A_104 : memref<200x128xf32, #tpu.memory_space<hbm>>) target_semaphore(%arg16 : memref<!tpu.dma_semaphore, #tpu.memory_space<semaphore_mem>>)
      %dma_start3A_105 = arith.constant 0 : i32
      %dma_start3A_106 = tpu.memref_slice %arg6[%add3A_78, %dma_start3A_105] : memref<204800x128xf32, #tpu.memory_space<hbm>> -> memref<200x128xf32, #tpu.memory_space<hbm>>
      %dma_start3A_107 = arith.constant 0 : i32
      %dma_start3A_108 = tpu.memref_slice %arg6[%add3A_78, %dma_start3A_107] : memref<204800x128xf32, #tpu.memory_space<hbm>> -> memref<200x128xf32, #tpu.memory_space<hbm>>
      tpu.enqueue_dma source(%arg13 : memref<200x128xf32, #tpu.memory_space<vmem>>) target(%dma_start3A_108 : memref<200x128xf32, #tpu.memory_space<hbm>>) target_semaphore(%arg16 : memref<!tpu.dma_semaphore, #tpu.memory_space<semaphore_mem>>)
    }
    %scan3A_26 = arith.constant 16 : i32
    %dma_wait3A = arith.constant 0 : i32
    %dma_wait3A_27 = arith.constant 0 : i32
    %dma_wait3A_28 = tpu.memref_slice %arg5[%dma_wait3A, %dma_wait3A_27] : memref<204800x128xf32, #tpu.memory_space<hbm>> -> memref<200x128xf32, #tpu.memory_space<hbm>>
    %dma_wait3A_29 = arith.constant 0 : i32
    %dma_wait3A_30 = arith.constant 0 : i32
    %dma_wait3A_31 = tpu.memref_slice %arg5[%dma_wait3A_29, %dma_wait3A_30] : memref<204800x128xf32, #tpu.memory_space<hbm>> -> memref<200x128xf32, #tpu.memory_space<hbm>>
    tpu.wait_dma2 semaphore(%arg16 : memref<!tpu.dma_semaphore, #tpu.memory_space<semaphore_mem>>) src(%arg12 : memref<200x128xf32, #tpu.memory_space<vmem>>) dst(%dma_wait3A_31 : memref<200x128xf32, #tpu.memory_space<hbm>>)
    %dma_wait3A_32 = arith.constant 0 : i32
    %dma_wait3A_33 = arith.constant 0 : i32
    %dma_wait3A_34 = tpu.memref_slice %arg6[%dma_wait3A_32, %dma_wait3A_33] : memref<204800x128xf32, #tpu.memory_space<hbm>> -> memref<200x128xf32, #tpu.memory_space<hbm>>
    %dma_wait3A_35 = arith.constant 0 : i32
    %dma_wait3A_36 = arith.constant 0 : i32
    %dma_wait3A_37 = tpu.memref_slice %arg6[%dma_wait3A_35, %dma_wait3A_36] : memref<204800x128xf32, #tpu.memory_space<hbm>> -> memref<200x128xf32, #tpu.memory_space<hbm>>
    tpu.wait_dma2 semaphore(%arg16 : memref<!tpu.dma_semaphore, #tpu.memory_space<semaphore_mem>>) src(%arg13 : memref<200x128xf32, #tpu.memory_space<vmem>>) dst(%dma_wait3A_37 : memref<200x128xf32, #tpu.memory_space<hbm>>)
    return
  }
}

module attributes {stable_mosaic.version = 14 : i64} {
  func.func @_transform_body(%arg0: i32, %arg1: memref<2000x128xf32, #tpu.memory_space<vmem>>, %arg2: memref<2000x128xf32, #tpu.memory_space<vmem>>, %arg3: memref<64x328xf32, #tpu.memory_space<vmem>>, %arg4: memref<64x328xf32, #tpu.memory_space<vmem>>, %arg5: memref<1x64xf32, #tpu.memory_space<vmem>>, %arg6: memref<1x64xf32, #tpu.memory_space<vmem>>, %arg7: memref<2000x128xi32, #tpu.memory_space<vmem>>, %arg8: memref<200x128xi32, #tpu.memory_space<vmem>>) attributes {dimension_semantics = [#tpu.dimension_semantics<arbitrary>], iteration_bounds = array<i64: 50>, scalar_prefetch = 0 : i64, scratch_operands = 0 : i64, tpu.core_type = #tpu.core_type<tc>, window_params = [{transform_indices = @transform_0, window_bounds = array<i64: 2000, 128>}, {transform_indices = @transform_1, window_bounds = array<i64: 2000, 128>}, {pipeline_mode = #tpu.pipeline_mode<synchronous>, transform_indices = @transform_2, window_bounds = array<i64: 64, 328>}, {pipeline_mode = #tpu.pipeline_mode<synchronous>, transform_indices = @transform_3, window_bounds = array<i64: 64, 328>}, {pipeline_mode = #tpu.pipeline_mode<synchronous>, transform_indices = @transform_4, window_bounds = array<i64: 1, 64>}, {pipeline_mode = #tpu.pipeline_mode<synchronous>, transform_indices = @transform_5, window_bounds = array<i64: 1, 64>}, {transform_indices = @transform_6, window_bounds = array<i64: 2000, 128>}, {pipeline_mode = #tpu.pipeline_mode<synchronous>, transform_indices = @transform_7, window_bounds = array<i64: 200, 128>}]} {
    %get3A = arith.constant 0 : index
    %get3A_0 = arith.constant 0 : index
    %get3A_1 = vector.load %arg3[%get3A, %get3A_0] : memref<64x328xf32, #tpu.memory_space<vmem>>, vector<64x328xf32>
    %get3A_2 = arith.constant 0 : index
    %get3A_3 = arith.constant 0 : index
    %get3A_4 = vector.load %arg4[%get3A_2, %get3A_3] : memref<64x328xf32, #tpu.memory_space<vmem>>, vector<64x328xf32>
    %get3A_5 = arith.constant 0 : index
    %get3A_6 = arith.constant 0 : index
    %get3A_7 = vector.load %arg1[%get3A_5, %get3A_6] : memref<2000x128xf32, #tpu.memory_space<vmem>>, vector<2000x128xf32>
    %get3A_8 = arith.constant 0 : index
    %get3A_9 = arith.constant 0 : index
    %get3A_10 = vector.load %arg2[%get3A_8, %get3A_9] : memref<2000x128xf32, #tpu.memory_space<vmem>>, vector<2000x128xf32>
    %slice3A = vector.extract_strided_slice %get3A_1 {offsets = [0, 0], sizes = [64, 128], strides = [1, 1]} : vector<64x328xf32> to vector<64x128xf32>
    %dot_general3A = arith.constant dense<0.000000e+00> : vector<2000x64xf32>
    %dot_general3A_11 = tpu.matmul %get3A_7, %slice3A, %dot_general3A {dimension_numbers = #tpu.dot_dimension_numbers<[1], [1], [0], [0], [0, 0, 1, 0], [], []>, transpose_lhs_hint = false} : vector<2000x128xf32>, vector<64x128xf32>, vector<2000x64xf32> -> vector<2000x64xf32>
    %slice3A_12 = vector.extract_strided_slice %get3A_4 {offsets = [0, 0], sizes = [64, 128], strides = [1, 1]} : vector<64x328xf32> to vector<64x128xf32>
    %dot_general3A_13 = arith.constant dense<0.000000e+00> : vector<2000x64xf32>
    %dot_general3A_14 = tpu.matmul %get3A_7, %slice3A_12, %dot_general3A_13 {dimension_numbers = #tpu.dot_dimension_numbers<[1], [1], [0], [0], [0, 0, 1, 0], [], []>, transpose_lhs_hint = false} : vector<2000x128xf32>, vector<64x128xf32>, vector<2000x64xf32> -> vector<2000x64xf32>
    %convert_element_type3A = arith.truncf %dot_general3A_11 : vector<2000x64xf32> to vector<2000x64xbf16>
    %bitcast_convert_type3A = tpu.bitcast %convert_element_type3A : vector<2000x64xbf16> -> vector<2000x64xi16>
    %convert_element_type3A_15 = arith.extui %bitcast_convert_type3A : vector<2000x64xi16> to vector<2000x64xi32>
    %convert_element_type3A_16 = arith.truncf %dot_general3A_14 : vector<2000x64xf32> to vector<2000x64xbf16>
    %bitcast_convert_type3A_17 = tpu.bitcast %convert_element_type3A_16 : vector<2000x64xbf16> -> vector<2000x64xi16>
    %convert_element_type3A_18 = arith.extui %bitcast_convert_type3A_17 : vector<2000x64xi16> to vector<2000x64xi32>
    %shift_left3A = arith.constant 16 : i32
    %shift_left3A_19 = vector.broadcast %shift_left3A : i32 to vector<2000x64xi32>
    %shift_left3A_20 = arith.shli %convert_element_type3A_18, %shift_left3A_19 : vector<2000x64xi32>
    %or3A = arith.ori %convert_element_type3A_15, %shift_left3A_20 : vector<2000x64xi32>
    %bitcast_convert_type3A_21 = tpu.bitcast %or3A : vector<2000x64xi32> -> vector<2000x64xi32>
    %slice3A_22 = vector.extract_strided_slice %get3A_1 {offsets = [0, 0], sizes = [64, 128], strides = [1, 1]} : vector<64x328xf32> to vector<64x128xf32>
    %dot_general3A_23 = arith.constant dense<0.000000e+00> : vector<2000x64xf32>
    %dot_general3A_24 = tpu.matmul %get3A_10, %slice3A_22, %dot_general3A_23 {dimension_numbers = #tpu.dot_dimension_numbers<[1], [1], [0], [0], [0, 0, 1, 0], [], []>, transpose_lhs_hint = false} : vector<2000x128xf32>, vector<64x128xf32>, vector<2000x64xf32> -> vector<2000x64xf32>
    %slice3A_25 = vector.extract_strided_slice %get3A_4 {offsets = [0, 0], sizes = [64, 128], strides = [1, 1]} : vector<64x328xf32> to vector<64x128xf32>
    %dot_general3A_26 = arith.constant dense<0.000000e+00> : vector<2000x64xf32>
    %dot_general3A_27 = tpu.matmul %get3A_10, %slice3A_25, %dot_general3A_26 {dimension_numbers = #tpu.dot_dimension_numbers<[1], [1], [0], [0], [0, 0, 1, 0], [], []>, transpose_lhs_hint = false} : vector<2000x128xf32>, vector<64x128xf32>, vector<2000x64xf32> -> vector<2000x64xf32>
    %convert_element_type3A_28 = arith.truncf %dot_general3A_24 : vector<2000x64xf32> to vector<2000x64xbf16>
    %bitcast_convert_type3A_29 = tpu.bitcast %convert_element_type3A_28 : vector<2000x64xbf16> -> vector<2000x64xi16>
    %convert_element_type3A_30 = arith.extui %bitcast_convert_type3A_29 : vector<2000x64xi16> to vector<2000x64xi32>
    %convert_element_type3A_31 = arith.truncf %dot_general3A_27 : vector<2000x64xf32> to vector<2000x64xbf16>
    %bitcast_convert_type3A_32 = tpu.bitcast %convert_element_type3A_31 : vector<2000x64xbf16> -> vector<2000x64xi16>
    %convert_element_type3A_33 = arith.extui %bitcast_convert_type3A_32 : vector<2000x64xi16> to vector<2000x64xi32>
    %shift_left3A_34 = arith.constant 16 : i32
    %shift_left3A_35 = vector.broadcast %shift_left3A_34 : i32 to vector<2000x64xi32>
    %shift_left3A_36 = arith.shli %convert_element_type3A_33, %shift_left3A_35 : vector<2000x64xi32>
    %or3A_37 = arith.ori %convert_element_type3A_30, %shift_left3A_36 : vector<2000x64xi32>
    %bitcast_convert_type3A_38 = tpu.bitcast %or3A_37 : vector<2000x64xi32> -> vector<2000x64xi32>
    %concatenate3A = tpu.concatenate %bitcast_convert_type3A_21, %bitcast_convert_type3A_38 in 1 : vector<2000x64xi32>, vector<2000x64xi32> -> vector<2000x128xi32>
    %swap3A = arith.constant 0 : index
    %swap3A_39 = arith.constant 0 : index
    %swap3A_40 = vector.load %arg7[%swap3A, %swap3A_39] : memref<2000x128xi32, #tpu.memory_space<vmem>>, vector<2000x128xi32>
    tpu.vector_store %arg7[%swap3A, %swap3A_39], %concatenate3A {strides = array<i32>} : memref<2000x128xi32, #tpu.memory_space<vmem>>, vector<2000x128xi32>,
    %eq3A = arith.constant 0 : i32
    %eq3A_41 = arith.cmpi eq, %arg0, %eq3A : i32
    %convert_element_type3A_42 = arith.extui %eq3A_41 : i1 to i32
    %cond3A = arith.constant 0 : i32
    %cond3A_43 = arith.cmpi ne, %convert_element_type3A_42, %cond3A : i32
    scf.if %cond3A_43 {
      %iota3A = tpu.iota {dimensions = array<i32: 0>} : vector<200x200xi32>
      %iota3A_44 = tpu.iota {dimensions = array<i32: 1>} : vector<200x200xi32>
      %eq3A_45 = arith.cmpi eq, %iota3A, %iota3A_44 : vector<200x200xi32>
      %jit3A = arith.constant 1.000000e+00 : f32
      %jit3A_46 = arith.constant 0.000000e+00 : f32
      %broadcast_in_dim3A = vector.broadcast %jit3A : f32 to vector<200x200xf32>
      %broadcast_in_dim3A_47 = vector.broadcast %jit3A_46 : f32 to vector<200x200xf32>
      %select_n3A = arith.select %eq3A_45, %broadcast_in_dim3A, %broadcast_in_dim3A_47 : vector<200x200xi1>, vector<200x200xf32>
      %slice3A_48 = vector.extract_strided_slice %get3A_1 {offsets = [0, 128], sizes = [64, 200], strides = [1, 1]} : vector<64x328xf32> to vector<64x200xf32>
      %dot_general3A_49 = arith.constant dense<0.000000e+00> : vector<200x64xf32>
      %dot_general3A_50 = tpu.matmul %select_n3A, %slice3A_48, %dot_general3A_49 {dimension_numbers = #tpu.dot_dimension_numbers<[1], [1], [0], [0], [0, 0, 1, 0], [], []>, transpose_lhs_hint = false} : vector<200x200xf32>, vector<64x200xf32>, vector<200x64xf32> -> vector<200x64xf32>
      %get3A_51 = arith.constant 0 : index
      %get3A_52 = arith.constant 0 : index
      %get3A_53 = vector.load %arg5[%get3A_51, %get3A_52] : memref<1x64xf32, #tpu.memory_space<vmem>>, vector<1x64xf32>
      %add3A = vector.broadcast %get3A_53 : vector<1x64xf32> to vector<200x64xf32>
      %add3A_54 = arith.addf %dot_general3A_50, %add3A : vector<200x64xf32>
      %slice3A_55 = vector.extract_strided_slice %get3A_4 {offsets = [0, 128], sizes = [64, 200], strides = [1, 1]} : vector<64x328xf32> to vector<64x200xf32>
      %dot_general3A_56 = arith.constant dense<0.000000e+00> : vector<200x64xf32>
      %dot_general3A_57 = tpu.matmul %select_n3A, %slice3A_55, %dot_general3A_56 {dimension_numbers = #tpu.dot_dimension_numbers<[1], [1], [0], [0], [0, 0, 1, 0], [], []>, transpose_lhs_hint = false} : vector<200x200xf32>, vector<64x200xf32>, vector<200x64xf32> -> vector<200x64xf32>
      %get3A_58 = arith.constant 0 : index
      %get3A_59 = arith.constant 0 : index
      %get3A_60 = vector.load %arg6[%get3A_58, %get3A_59] : memref<1x64xf32, #tpu.memory_space<vmem>>, vector<1x64xf32>
      %add3A_61 = vector.broadcast %get3A_60 : vector<1x64xf32> to vector<200x64xf32>
      %add3A_62 = arith.addf %dot_general3A_57, %add3A_61 : vector<200x64xf32>
      %convert_element_type3A_63 = arith.truncf %add3A_54 : vector<200x64xf32> to vector<200x64xbf16>
      %bitcast_convert_type3A_64 = tpu.bitcast %convert_element_type3A_63 : vector<200x64xbf16> -> vector<200x64xi16>
      %convert_element_type3A_65 = arith.extui %bitcast_convert_type3A_64 : vector<200x64xi16> to vector<200x64xi32>
      %convert_element_type3A_66 = arith.truncf %add3A_62 : vector<200x64xf32> to vector<200x64xbf16>
      %bitcast_convert_type3A_67 = tpu.bitcast %convert_element_type3A_66 : vector<200x64xbf16> -> vector<200x64xi16>
      %convert_element_type3A_68 = arith.extui %bitcast_convert_type3A_67 : vector<200x64xi16> to vector<200x64xi32>
      %shift_left3A_69 = arith.constant 16 : i32
      %shift_left3A_70 = vector.broadcast %shift_left3A_69 : i32 to vector<200x64xi32>
      %shift_left3A_71 = arith.shli %convert_element_type3A_68, %shift_left3A_70 : vector<200x64xi32>
      %or3A_72 = arith.ori %convert_element_type3A_65, %shift_left3A_71 : vector<200x64xi32>
      %bitcast_convert_type3A_73 = tpu.bitcast %or3A_72 : vector<200x64xi32> -> vector<200x64xi32>
      %concatenate3A_74 = tpu.concatenate %bitcast_convert_type3A_73, %bitcast_convert_type3A_73 in 1 : vector<200x64xi32>, vector<200x64xi32> -> vector<200x128xi32>
      %swap3A_75 = arith.constant 0 : index
      %swap3A_76 = arith.constant 0 : index
      %swap3A_77 = vector.load %arg8[%swap3A_75, %swap3A_76] : memref<200x128xi32, #tpu.memory_space<vmem>>, vector<200x128xi32>
      tpu.vector_store %arg8[%swap3A_75, %swap3A_76], %concatenate3A_74 {strides = array<i32>} : memref<200x128xi32, #tpu.memory_space<vmem>>, vector<200x128xi32>,
    } else {
    }
    return
  }
  func.func @transform_0(%arg0: i32) -> (i32, i32) {
    %c0_i32 = arith.constant 0 : i32
    %c0_i32_0 = arith.constant 0 : i32
    return %arg0, %c0_i32 : i32, i32
  }
  func.func @transform_1(%arg0: i32) -> (i32, i32) {
    %c0_i32 = arith.constant 0 : i32
    %c0_i32_0 = arith.constant 0 : i32
    return %arg0, %c0_i32 : i32, i32
  }
  func.func @transform_2(%arg0: i32) -> (i32, i32) {
    %c0_i32 = arith.constant 0 : i32
    %c0_i32_0 = arith.constant 0 : i32
    %c0_i32_1 = arith.constant 0 : i32
    return %c0_i32, %c0_i32_0 : i32, i32
  }
  func.func @transform_3(%arg0: i32) -> (i32, i32) {
    %c0_i32 = arith.constant 0 : i32
    %c0_i32_0 = arith.constant 0 : i32
    %c0_i32_1 = arith.constant 0 : i32
    return %c0_i32, %c0_i32_0 : i32, i32
  }
  func.func @transform_4(%arg0: i32) -> (i32, i32) {
    %c0_i32 = arith.constant 0 : i32
    %c0_i32_0 = arith.constant 0 : i32
    %c0_i32_1 = arith.constant 0 : i32
    return %c0_i32, %c0_i32_0 : i32, i32
  }
  func.func @transform_5(%arg0: i32) -> (i32, i32) {
    %c0_i32 = arith.constant 0 : i32
    %c0_i32_0 = arith.constant 0 : i32
    %c0_i32_1 = arith.constant 0 : i32
    return %c0_i32, %c0_i32_0 : i32, i32
  }
  func.func @transform_6(%arg0: i32) -> (i32, i32) {
    %c0_i32 = arith.constant 0 : i32
    %c0_i32_0 = arith.constant 0 : i32
    return %arg0, %c0_i32 : i32, i32
  }
  func.func @transform_7(%arg0: i32) -> (i32, i32) {
    %c0_i32 = arith.constant 0 : i32
    %c0_i32_0 = arith.constant 0 : i32
    %c0_i32_1 = arith.constant 0 : i32
    return %c0_i32, %c0_i32_0 : i32, i32
  }
}

</mosaic_0001>

<sc_bundles>
// kernel: kernel.4.cloned.1.call-start
scs
__scs_entry_jumppad:
0x0: {  	(pc) =	sbr.rel $0x88, $3  }
0x1: {  	(tag) =	ssettag $0x0;
	lr =	simm.s32 $0x1  }
0x2: {  	[smem:$0x3F9C] =	sst lr;
	_ =	strace $0xD0000000  }
0x3: {  	_ = 	snop  }
0x4: {  	_ = 	snop  }
0x5: {  	_ = 	snop  }
0x6: {  	_ = 	snop  }
0x7: {  	_ = 	snop  }
__scs_overlays_trampoline_lowered:
0x8: {  	[smem:$0x3FAB] =	sst s0  }
0x9: {  	[smem:$0x3FAC] =	sst s1  }
0xa: {  	[smem:$0x3FAD] =	sst s2  }
0xb: {  	[smem:$0x3FAE] =	sst s3  }
0xc: {  	[smem:$0x3FAF] =	sst s4  }
0xd: {  	[smem:$0x3FB0] =	sst s5  }
0xe: {  	[smem:$0x3FB1] =	sst s6  }
0xf: {  	[smem:$0x3FB2] =	sst s7  }
0x10: {  	[smem:$0x3FB3] =	sst s8  }
0x11: {  	[smem:$0x3FB4] =	sst s9;
	s0 =	simm.s32 @!p0 $0x0  }
0x12: {  	s1 =	sld [smem:$0x3F9A];
	s0 =	simm.s32 @p0 $0x1  }
0x13: {  	[smem:$0x3FB5] =	sst s0;
	s0 =	simm.s32 @!p1 $0x0  }
0x14: {  	s2 =	sld [smem:$0x3F99];
	s0 =	simm.s32 @p1 $0x1  }
0x15: {  	[smem:$0x3FB6] =	sst s0;
	s0 =	simm.s32 @!p2 $0x0  }
0x16: {  	s3 =	sld [smem:$0x3FDB];
	s0 =	simm.s32 @p2 $0x1  }
0x17: {  	s4 =	simm.s32 $0x1BF5;
	[smem:$0x3FB8] =	sst s0  }
0x18: {  	s0 =	sld [smem:$0x3F9B];
	_ =	swait.ge [sflag:s4], $0x0  }
0x19: {  	s7 =	sld [smem:$0x3F9C]  }
0x1a: {  	s8 =	sadd.s32 $0xFFFFE003, lr  }
0x1b: {  	s9 =	sadd.s32 $0xFFFFFEF7, lr;
	s5 =	simm.s32 $0xFFFFFFFF;
	p2 =	slt.u32 s8, $0xFFFFF086  }
0x1c: {  	p1 =	slt.u32 s9, $0xF7A;
	s5 =	simm.s32 @!p2 $0x0  }
0x1d: {  	s5 =	simm.s32 @p1 $0x1;
	p0 =	seq.s32 s7, s2  }
0x1e: {  	s7 =	smul.u32 @!p0 $0xF7A, s2;
	p2 =	seq.s32 @!p0 s5, $0x0  }
0x1f: {  	s9 =	smul.u32 $0xF7A, s1;
	s8 =	simm.s32 @!p0 $0x1BF5;
	p2 =	por !p2, p0  }
0x20: {  	[sflag:s8] =	ssyncset.s32 @!p0 $0xFFFFF086;
	s6 =	sadd.s32 @!p0 s3, s7;
	s7 =	simm.s32 @!p0 $0x108  }
0x21: {  	s3 =	sadd.s32 s3, s9;
	s6 =	sadd.s32 @!p0 $0x88, s6;
	s7 =	simm.s32 @p2 $0x1082  }
0x22: {  	[simem:s7], [sflag:s8] =	dma.local @!p0 [hbm:s6], $0xF7A  }
0x23: {  	s9 =	sor.u32 $0xD0000000, s2;
	s6 =	simm.s32 $0x108;
	_ =	swait.ge @!p0 [sflag:s8], $0x0  }
0x24: {  	s3 =	sadd.s32 $0x88, s3;
	s6 =	simm.s32 @!p1 $0x1082;
	[sflag:s4] =	ssyncset.s32 $0xFFFFF086  }
0x25: {  	[simem:s6], [sflag:s4] =	dma.local [hbm:s3], $0xF7A  }
0x26: {  	[smem:$0x3F9C] =	sst s1;
	(tag) =	ssettag s2;
	_ =	strace s9  }
0x27: {  	s1 =	sld [smem:$0x3FAC]  }
0x28: {  	s2 =	sld [smem:$0x3FAD]  }
0x29: {  	s4 =	sld [smem:$0x3FAF]  }
0x2a: {  	p0 =	seq.s32 s5, $0x0;
	s5 =	sld [smem:$0x3FB0]  }
0x2b: {  	s6 =	sld [smem:$0x3FB1]  }
0x2c: {  	s7 =	sld [smem:$0x3FB2]  }
0x2d: {  	s3 =	simm.s32 $0x108;
	s8 =	sld [smem:$0x3FB3]  }
0x2e: {  	s3 =	simm.s32 @!p0 $0x1082;
	s9 =	sld [smem:$0x3FB4]  }
0x2f: {  	lr =	sadd.s32 s0, s3;
	s0 =	sld [smem:$0x3FAB]  }
0x30: {  	s3 =	sld [smem:$0x3FAE]  }
0x31: {  	[smem:$0x3FB7] =	sst s10  }
0x32: {  	s10 =	sld [smem:$0x3FB5];
	_ =	sdelay $0x3  }
0x33: {  	p0 =	seq.s32 s10, $0x1;
	s10 =	sld [smem:$0x3FB7];
	_ =	sdelay $0x3  }
0x34: {  	[smem:$0x3FB7] =	sst s10  }
0x35: {  	s10 =	sld [smem:$0x3FB6];
	_ =	sdelay $0x3  }
0x36: {  	p1 =	seq.s32 s10, $0x1;
	s10 =	sld [smem:$0x3FB7];
	_ =	sdelay $0x3  }
0x37: {  	[smem:$0x3FB7] =	sst s10  }
0x38: {  	s10 =	sld [smem:$0x3FB8]  }
0x39: {  	_ = 	snop;
	(pc) =	sbr.ind lr, $3  }
0x3a: {  	_ = 	snop  }
0x3b: {  	_ = 	snop  }
0x3c: {  	p2 =	seq.s32 s10, $0x1;
	s10 =	sld [smem:$0x3FB7]  }
0x3d: {  	_ =	shalt  }
0x3e: {  	_ =	shalt  }
0x3f: {  	_ =	shalt  }
0x40: {  	_ =	shalt  }
0x41: {  	_ =	shalt  }
0x42: {  	_ =	shalt  }
0x43: {  	_ =	shalt  }
0x44: {  	_ =	shalt  }
0x45: {  	_ =	shalt  }
0x46: {  	_ =	shalt  }
0x47: {  	_ =	shalt  }
0x48: {  	_ =	shalt  }
0x49: {  	_ =	shalt  }
0x4a: {  	_ =	shalt  }
0x4b: {  	_ =	shalt  }
0x4c: {  	_ =	shalt  }
0x4d: {  	_ =	shalt  }
0x4e: {  	_ =	shalt  }
0x4f: {  	_ =	shalt  }
0x50: {  	_ =	shalt  }
0x51: {  	_ =	shalt  }
0x52: {  	_ =	shalt  }
0x53: {  	_ =	shalt  }
0x54: {  	_ =	shalt  }
0x55: {  	_ =	shalt  }
0x56: {  	_ =	shalt  }
0x57: {  	_ =	shalt  }
0x58: {  	_ =	shalt  }
0x59: {  	_ =	shalt  }
0x5a: {  	_ =	shalt  }
0x5b: {  	_ =	shalt  }
0x5c: {  	_ =	shalt  }
0x5d: {  	_ =	shalt  }
0x5e: {  	_ =	shalt  }
0x5f: {  	_ =	shalt  }
0x60: {  	_ =	shalt  }
0x61: {  	_ =	shalt  }
0x62: {  	_ =	shalt  }
0x63: {  	_ =	shalt  }
0x64: {  	_ =	shalt  }
0x65: {  	_ =	shalt  }
0x66: {  	_ =	shalt  }
0x67: {  	_ =	shalt  }
0x68: {  	_ =	shalt  }
0x69: {  	_ =	shalt  }
0x6a: {  	_ =	shalt  }
0x6b: {  	_ =	shalt  }
0x6c: {  	_ =	shalt  }
0x6d: {  	_ =	shalt  }
0x6e: {  	_ =	shalt  }
0x6f: {  	_ =	shalt  }
0x70: {  	_ =	shalt  }
0x71: {  	_ =	shalt  }
0x72: {  	_ =	shalt  }
0x73: {  	_ =	shalt  }
0x74: {  	_ =	shalt  }
0x75: {  	_ =	shalt  }
0x76: {  	_ =	shalt  }
0x77: {  	_ =	shalt  }
0x78: {  	_ =	shalt  }
0x79: {  	_ =	shalt  }
0x7a: {  	_ =	shalt  }
0x7b: {  	_ =	shalt  }
0x7c: {  	_ =	shalt  }
0x7d: {  	_ =	shalt  }
0x7e: {  	_ =	shalt  }
0x7f: {  	_ =	shalt  }
0x80: {  	_ =	shalt  }
0x81: {  	_ =	shalt  }
0x82: {  	_ =	shalt  }
0x83: {  	_ =	shalt  }
0x84: {  	_ =	shalt  }
0x85: {  	_ =	shalt  }
0x86: {  	_ =	shalt  }
0x87: {  	_ =	shalt  }
.Lfunc_end0:
.L_simem_size_0:
called_computation_lowered:
.L_overlay_start_0:
0x88: {  	s2 =	sld [smem:$0x3FD9]  }
0x89: {  	s3 =	sld [smem:$0x3FFE];
	_ =	sdelay $0x1  }
0x8a: {  	s1 =	srdreg.scid  }
0x8b: {  	s0 =	sand.u32 $0x1, s1  }
0x8c: {  	s14 =	sshll.u32 s0, $0xA;
	s2 =	sadd.s32 s3, s2  }
0x8d: {  	s2 =	sadd.s32 s2, s14  }
0x8e: {  	[smem:$0x3FC3] =	sst s2  }
0x8f: {  	_ = 	snop  }
0x90: {  	s2 =	sld [smem:$0x3FD0];
	_ =	sdelay $0x2  }
0x91: {  	s15 =	simm.s32 $0xA;
	s4 =	simm.s32 $0x10  }
0x92: {  	[smem:s4], [sflag:s15] =	dma.local [hbm:s2], $0x1  }
0x93: {  	_ =	swait.eq [sflag:s15], $0x1  }
0x94: {  	[sflag:s15] =	ssyncset.done $0x0  }
0x95: {  	s16 =	sld [smem:$0x10];
	[sflag:s15] =	ssyncadd.s32 $0xFFFFFFFF  }
0x96: {  	s17 =	sld [smem:$0x11];
	(tm) =	ssettm $0x1  }
0x97: {  	s18 =	sld [smem:$0x3FFB];
	_ =	sdelay $0x3  }
0x98: {  	_ =	strace s18  }
0x99: {  	s4 =	sld [smem:$0x3FFC];
	_ =	sdelay $0x3  }
0x9a: {  	_ =	strace s4  }
0x9b: {  	s4 =	sld [smem:$0x3FFD];
	_ =	sdelay $0x3  }
0x9c: {  	_ =	strace s4  }
0x9d: {  	_ =	strace $0x8FFFFFFF  }
0x9e: {  	s19 =	sld [smem:$0x3FDB];
	_ =	sdelay $0x1  }
0x9f: {  	s5 =	simm.s32 $_scs_section_size  }
0xa0: {  	s6 =	simm.s32 $_size__tile_overlayer_lowered;
	s7 =	simm.s32 $_tile_overlayer_lowered  }
0xa1: {  	s22 =	simm.s32 $0x1BFF;
	s21 =	sshll.u32 s7, $0x1;
	s4 =	sadd.s32 s5, s19  }
0xa2: {  	s8 =	simm.s32 $0x0;
	s20 =	sshll.u32 s6, $0x1;
	s6 =	sadd.s32 s21, s4  }
0xa3: {  	[timem:s8], [sflag:s22] =	dma.local [hbm:s6], s20  }
0xa4: {  	_ =	swait.ge [sflag:s22], s20  }
0xa5: {  	s5 =	ssub.s32 $0x0, s20;
	[sflag:s22] =	ssyncset.done $0x0  }
0xa6: {  	[sflag:s22] =	ssyncadd.s32 s5;
	_ =	sdelay $0x1  }
0xa7: {  	s23 =	simm.s32 $0x1B8B  }
0xa8: {  	_ =	swait.ge [sflag:s23], $0x1  }
0xa9: {  	[sflag:s23] =	ssyncset.done $0x0  }
0xaa: {  	s25 =	simm.s32 $0x1B8E;
	s24 =	sld [smem:$0x3FFE];
	[sflag:s23] =	ssyncadd.s32 $0xFFFFFFFF  }
0xab: {  	s26 =	simm.s32 $execute0_lowered;
	[smem:$0x3FD2] =	sst s25  }
0xac: {  	s6 =	sshll.u32 s26, $0x1;
	_ =	strace $0x80000046;
	[dreg:$0x1] =	wrdreg $0xFFFFFFFF  }
0xad: {  	s28 =	simm.s32 $_size_execute0_lowered;
	s4 =	sadd.s32 s4, s6;
	[dreg:$0x0] =	wrdreg $0x0  }
0xae: {  	s6 =	sshll.u32 s28, $0x1;
	[dreg:$0x2] =	wrdreg s4  }
0xaf: {  	[dreg:$0x3] =	wrdreg s6  }
0xb0: {  	[dreg:$0x4] =	wrdreg $0xC0  }
0xb1: {  	_ =	task [dreg:s8], $0x5FFFF  }
0xb2: {  	[dreg:$0x1] =	wrdreg $0xFFFFFFFF  }
0xb3: {  	[dreg:$0x0] =	wrdreg $0x60  }
0xb4: {  	[dreg:$0x2] =	wrdreg s24  }
0xb5: {  	[dreg:$0x3] =	wrdreg s16  }
0xb6: {  	[dreg:$0x4] =	wrdreg s17  }
0xb7: {  	[dreg:$0x5] =	wrdreg $0x9  }
0xb8: {  	_ =	task.clear_ibuf [dreg:s8], $0x6FFFF;
	_ =	strace $0x90000046  }
0xb9: {  	s29 =	simm.s32 $0x9;
	_ =	strace $0x80000048  }
0xba: {  	_ =	swait.ge [sflag:s29], $0x1  }
0xbb: {  	[sflag:s29] =	ssyncadd.s32 $0xFFFFFFFF  }
0xbc: {  	_ =	strace $0x90000048  }
0xbd: {  	_ =	sfence  }
0xbe: {  	s30 =	sld [smem:$0x0];
	_ =	sdelay $0x2  }
0xbf: {  	s31 =	sshll.u32 s1, $0xD;
	s1 =	sshrl.u32 s1, $0x2  }
0xc0: {  	s3 =	sand.u32 $0x4000, s31;
	s1 =	sadd.s32 s1, s30  }
0xc1: {  	s0 =	sor.u32 s3, s0;
	s1 =	sshll.u32 s1, $0x11  }
0xc2: {  	s0 =	sor.u32 s1, s0  }
0xc3: {  	s0 =	sadd.s32 $0x8F2B, s0  }
0xc4: {  	[sflag:s0] =	ssyncadd.remote.s32 $0x1  }
0xc5: {  	_ =	sfence.sel $0xFFFF  }
0xc6: {  	[dreg:$0x0] =	wrdreg $0xFFFFFFFF;
	(pc) =	sbr.abs _section_cstart, $3  }
0xc7: {  	[dreg:$0x1] =	wrdreg $0xFFFFFFFF  }
0xc8: {  	_ =	task.clear_ibuf [dreg:s8], $0x2FFFF;
	_ =	strace $0x9FFFFFFF  }
0xc9: {  	(tm) =	ssettm $0x7FFFFFFF  }
tec
execute0_lowered:
.L_overlay_start_1:
0x0: {  	(tag) =	ssettag $0x1  }
0x1: {  	s0 =	rddreg [dreg:$0x0]  }
0x2: {  	s2 =	rddreg [dreg:$0x1]  }
0x3: {  	s3 =	rddreg [dreg:$0x2]  }
0x4: {  	s1 =	srdreg.scid;
	s5 =	stileid.u32;
	s4 =	simm.s32 $0x0  }
0x5: {  	s14 =	simm.s32 $0x4;
	s15 =	simm.s32 $0x68;
	s17 =	simm.s32 $0x60  }
0x6: {  	s19 =	simm.s32 $0x100;
	s20 =	simm.s32 $0x6600;
	s21 =	simm.s32 $0x168  }
0x7: {  	s22 =	simm.s32 $0x9A00;
	s23 =	simm.s32 $0x1;
	s24 =	simm.s32 $0x12E00  }
0x8: {  	s25 =	simm.s32 $0x19200;
	s26 =	simm.s32 $0x2;
	s28 =	simm.s32 $0x3  }
0x9: {  	s29 =	simm.s32 $0x0;
	s1 =	sand.u32 $0x1, s1;
	s5 =	sshll.u32 s5, $0x1  }
0xa: {  	[smem:$0x7FF] =	sst s4;
	s6 =	sadd.s32 $0x7400, s0;
	s5 =	sor.u32 s1, s5  }
0xb: {  	s7 =	sadd.s32 $0x18DE00, s0;
	s1 =	ssub.s32 $0x2, s1;
	s5 =	smul.u32 $0x1900, s5  }
0xc: {  	s8 =	sadd.s32 $0x1000, s0;
	_ =	strace $0x80000047;
	s31 =	sshrl.u32 s1, $0x1  }
0xd: {  	s0 =	ssub.s32 s1, s31;
	s9 =	sshrl.u32 s5, $0x3;
	s10 =	sor.u32 $0xC8, s5  }
0xe: {  	s11 =	sadd.s32 $0x190, s5;
	s12 =	smax.u32 s0, $0x1;
	s9 =	sadd.s32 s8, s9  }
.LBB2_1:
0xf: {  	s0 =	simm.s32 $0xCA00  }
0x10: {  	[tilespmem:s0], [sflag:$0x4] =	stream.linear.gather [hbm4b:s7+s4], $0x6400, $0x38;
	[tilespmem:$0x1F600] =	vst v63  }
0x11: {  	_ =	swait.ge [sflag:s14], $0x6400  }
0x12: {  	[sflag:s14] =	ssyncset.done $0x0  }
0x13: {  	[sflag:s14] =	ssyncadd.s32 $0xFFFF9C00  }
0x14: {  	[tilespmem:s4], [sflag:$0x4] =	stream.linear.gather [hbm4b:s9+s4], $0xC8, $0x38;
	[tilespmem:$0x1F600] =	vst v63  }
0x15: {  	_ =	swait.ge [sflag:s14], $0xC8  }
0x16: {  	[sflag:s14] =	ssyncset.done $0x0  }
0x17: {  	s18 =	simm.s32 $0x200;
	[sflag:s14] =	ssyncadd.s32 $0xFFFFFF38  }
0x18: {  	[tilespmem:s18], [sflag:$0x1] =	stream.indirect.gather [hbm4b:s6+s15], $0x80, s4, s15, $0xb8;
	[tilespmem:$0x1F600] =	vst v63  }
0x19: {  	s31 =	simm.s32 $0x3600;
	s30 =	simm.s32 $0x0  }
0x1a: {  	[tilespmem:s31], [sflag:$0x1] =	stream.indirect.gather [hbm4b:s6+s17], $0x80, s15, s17, $0xb8;
	[tilespmem:$0x1F600] =	vst v63  }
.LBB2_2:
0x1b: {  	s31 =	smul.u32 $0x190, s30;
	_ =	sdelay $0x1  }
0x1c: {  	s0 =	sadd.s32 s31, s10  }
0x1d: {  	s0 =	sshrl.u32 s0, $0x3  }
0x1e: {  	s0 =	sadd.s32 s8, s0  }
0x1f: {  	[tilespmem:s19], [sflag:$0x4] =	stream.linear.gather [hbm4b:s0+s4], $0xC8, $0x38;
	[tilespmem:$0x1F600] =	vst v63  }
0x20: {  	_ =	swait.ge [sflag:s14], $0xC8  }
0x21: {  	[sflag:s14] =	ssyncset.done $0x0  }
0x22: {  	[sflag:s14] =	ssyncadd.s32 $0xFFFFFF38  }
0x23: {  	[tilespmem:s20], [sflag:$0x2] =	stream.indirect.gather [hbm4b:s6+s15], $0x80, s19, s15, $0xb8;
	[tilespmem:$0x1F600] =	vst v63  }
0x24: {  	_ = 	snop  }
0x25: {  	[tilespmem:s22], [sflag:$0x2] =	stream.indirect.gather [hbm4b:s6+s17], $0x80, s21, s17, $0xb8;
	[tilespmem:$0x1F600] =	vst v63  }
0x26: {  	_ =	swait.ge [sflag:s23], $0x6400  }
0x27: {  	p0 =	seq.s32 s30, $0x0;
	[sflag:s23] =	ssyncset.done $0x0  }
0x28: {  	s0 =	simm.s32 @!p0 $0x3;
	[sflag:s23] =	ssyncadd.s32 $0xFFFF9C00  }
0x29: {  	_ =	swait.ge @!p0 [sflag:s0], $0x6400  }
0x2a: {  	[sflag:s0] =	ssyncset.done @!p0 $0x0  }
0x2b: {  	[sflag:s0] =	ssyncadd.s32 @!p0 $0xFFFF9C00  }
0x2c: {  	_ =	swait.ge @!p0 [sflag:s0], $0x6400  }
0x2d: {  	[sflag:s0] =	ssyncset.done @!p0 $0x0  }
0x2e: {  	s13 =	simm.s32 $0x0;
	[sflag:s0] =	ssyncadd.s32 @!p0 $0xFFFF9C00  }
0x2f: {  	v1 =	vld [tilespmem:s13+$0xCA30]  }
0x30: {  	v2 =	vld [tilespmem:s13+$0x270]  }
0x31: {  	v3 =	vld [tilespmem:s13+$0xCA00]  }
0x32: {  	v4 =	vld [tilespmem:s13+$0x200]  }
0x33: {  	v5 =	vld [tilespmem:s13+$0x240]  }
0x34: {  	v9 =	vld [tilespmem:s13+$0x250]  }
0x35: {  	v6 =	vld [tilespmem:s13+$0xCA10];
	v0 =	vand.u32 $0xFFFF0000, v1  }
0x36: {  	v10 =	vld [tilespmem:s13+$0xCA20];
	v8 =	vand.u32 $0xFFFF0000, v2;
	v1 =	vshll.u32 v1, $0x10;
	v2 =	vshll.u32 v2, $0x10  }
0x37: {  	v7 =	vld [tilespmem:s13+$0x210];
	v12 =	vshll.u32 v3, $0x10;
	v13 =	vshll.u32 v4, $0x10;
	v8 =	vadd.f32 v8, v0  }
0x38: {  	v3 =	vand.u32 $0xFFFF0000, v3;
	v4 =	vand.u32 $0xFFFF0000, v4;
	v2 =	vadd.f32 v2, v1  }
0x39: {  	v11 =	vld [tilespmem:s13+$0x220];
	v15 =	vshll.u32 v9, $0x10;
	v9 =	vand.u32 $0xFFFF0000, v9;
	v4 =	vadd.f32 v4, v3;
	[tilespmem:s13+$0x19270] =	vst v8  }
0x3a: {  	v14 =	vld [tilespmem:s13+$0x230];
	v8 =	vadd.f32 v13, v12;
	[tilespmem:s13+$0x19260] =	vst v2;
	v2 =	vshll.u32 v5, $0x10;
	v5 =	vand.u32 $0xFFFF0000, v5  }
0x3b: {  	v13 =	vld [tilespmem:s13+$0x260];
	[tilespmem:s13+$0x12E10] =	vst v4;
	v4 =	vshll.u32 v10, $0x10;
	v2 =	vadd.f32 v2, v12;
	v12 =	vand.u32 $0xFFFF0000, v6  }
0x3c: {  	v5 =	vadd.f32 v5, v3;
	[tilespmem:s13+$0x12E00] =	vst v8;
	v8 =	vshll.u32 v6, $0x10;
	v6 =	vshll.u32 v7, $0x10  }
0x3d: {  	v3 =	vand.u32 $0xFFFF0000, v10;
	v7 =	vand.u32 $0xFFFF0000, v7;
	[tilespmem:s13+$0x19200] =	vst v2;
	v2 =	vadd.f32 v6, v8  }
0x3e: {  	[tilespmem:s13+$0x19210] =	vst v5;
	v10 =	vadd.f32 v7, v12;
	v7 =	vshll.u32 v11, $0x10;
	v5 =	vand.u32 $0xFFFF0000, v11  }
0x3f: {  	s16 =	simm.s32 $0x80;
	v11 =	vadd.f32 v15, v8;
	v12 =	vadd.f32 v9, v12;
	v9 =	vand.u32 $0xFFFF0000, v14;
	[tilespmem:s13+$0x12E20] =	vst v2  }
0x40: {  	s18 =	simm.s32 $0x400;
	s1 =	sadd.s32 s5, s31;
	s0 =	sshll.u32 s30, $0x1;
	v8 =	vshll.u32 v13, $0x10;
	v6 =	vand.u32 $0xFFFF0000, v13;
	v2 =	vld [tilespmem:s16+$0xCA30];
	[tilespmem:s13+$0x12E30] =	vst v10;
	v10 =	vshll.u32 v14, $0x10  }
.LBB2_3:
0x41: {  	p0 =	sne.s32 s18, $0x18E00;
	v13 =	vld [tilespmem:s16+$0x270];
	[tilespmem:s13+$0x19220] =	vst v11;
	v7 =	vadd.f32 v7, v4;
	v5 =	vadd.f32 v5, v3  }
0x42: {  	v4 =	vadd.f32 v8, v4;
	v3 =	vadd.f32 v6, v3;
	v11 =	vld [tilespmem:s16+$0xCA00];
	[tilespmem:s13+$0x19230] =	vst v12  }
0x43: {  	v8 =	vadd.f32 v9, v0;
	v6 =	vld [tilespmem:s16+$0x200];
	[tilespmem:s13+$0x12E40] =	vst v7;
	v7 =	vadd.f32 v10, v1  }
0x44: {  	v9 =	vld [tilespmem:s16+$0x240];
	[tilespmem:s13+$0x12E50] =	vst v5  }
0x45: {  	v5 =	vld [tilespmem:s16+$0xCA10];
	v1 =	vshll.u32 v2, $0x10;
	[tilespmem:s13+$0x19240] =	vst v4  }
0x46: {  	v0 =	vand.u32 $0xFFFF0000, v2;
	v4 =	vld [tilespmem:s16+$0x210];
	v2 =	vshll.u32 v13, $0x10;
	v10 =	vand.u32 $0xFFFF0000, v13;
	[tilespmem:s13+$0x19250] =	vst v3  }
0x47: {  	v3 =	vshll.u32 v11, $0x10;
	v11 =	vand.u32 $0xFFFF0000, v11;
	v12 =	vld [tilespmem:s16+$0x250];
	v10 =	vadd.f32 v10, v0;
	[tilespmem:s13+$0x12E60] =	vst v7  }
0x48: {  	v2 =	vadd.f32 v2, v1;
	v7 =	vshll.u32 v6, $0x10;
	v6 =	vand.u32 $0xFFFF0000, v6;
	v13 =	vld [tilespmem:s16+$0xCA20];
	[tilespmem:s13+$0x12E70] =	vst v8;
	s13 =	smov.u32 s16  }
0x49: {  	v8 =	vshll.u32 v9, $0x10;
	v9 =	vand.u32 $0xFFFF0000, v9;
	v7 =	vadd.f32 v7, v3;
	v14 =	vld [tilespmem:s13+$0x220];
	[tilespmem:s13+$0x19270] =	vst v10  }
0x4a: {  	v6 =	vadd.f32 v6, v11;
	v10 =	vshll.u32 v5, $0x10;
	v15 =	vand.u32 $0xFFFF0000, v5;
	v16 =	vld [tilespmem:s13+$0x260];
	[tilespmem:s13+$0x19260] =	vst v2  }
0x4b: {  	v2 =	vadd.f32 v8, v3;
	[tilespmem:s13+$0x12E00] =	vst v7;
	v3 =	vshll.u32 v4, $0x10;
	v5 =	vand.u32 $0xFFFF0000, v4;
	v17 =	vld [tilespmem:s13+$0x230]  }
.Ltmp0:
0x4c: {  	[tilespmem:s13+$0x12E10] =	vst v6;
	v6 =	vadd.f32 v9, v11;
	v8 =	vshll.u32 v12, $0x10;
	v9 =	vand.u32 $0xFFFF0000, v12;
	(pc) =	sbr.rel @p0 .LBB2_3-.Ltmp0, $4  }
0x4d: {  	[tilespmem:s13+$0x19200] =	vst v2;
	v2 =	vadd.f32 v3, v10;
	v4 =	vshll.u32 v13, $0x10;
	v3 =	vand.u32 $0xFFFF0000, v13  }
0x4e: {  	v12 =	vadd.f32 v5, v15;
	[tilespmem:s13+$0x19210] =	vst v6;
	v7 =	vshll.u32 v14, $0x10;
	v5 =	vand.u32 $0xFFFF0000, v14  }
0x4f: {  	s16 =	sshra.s32 s18, $0x2;
	v11 =	vadd.f32 v8, v10;
	[tilespmem:s13+$0x12E20] =	vst v2;
	v8 =	vshll.u32 v16, $0x10;
	v6 =	vand.u32 $0xFFFF0000, v16  }
0x50: {  	s18 =	sadd.s32 $0x200, s18;
	v2 =	vld [tilespmem:s16+$0xCA30];
	[tilespmem:s13+$0x12E30] =	vst v12;
	v12 =	vadd.f32 v9, v15;
	v10 =	vshll.u32 v17, $0x10;
	v9 =	vand.u32 $0xFFFF0000, v17  }
0x51: {  	v13 =	vld [tilespmem:s16+$0x270];
	[tilespmem:s13+$0x19220] =	vst v11;
	v7 =	vadd.f32 v7, v4  }
0x52: {  	v5 =	vadd.f32 v5, v3;
	v11 =	vld [tilespmem:s16+$0xCA00];
	[tilespmem:s13+$0x19230] =	vst v12  }
0x53: {  	v4 =	vadd.f32 v8, v4;
	v12 =	vld [tilespmem:s16+$0x200];
	[tilespmem:s13+$0x12E40] =	vst v7  }
0x54: {  	v3 =	vadd.f32 v6, v3;
	v7 =	vld [tilespmem:s16+$0x240];
	[tilespmem:s13+$0x12E50] =	vst v5  }
0x55: {  	v1 =	vadd.f32 v10, v1;
	v5 =	vld [tilespmem:s16+$0xCA10];
	[tilespmem:s13+$0x19240] =	vst v4  }
0x56: {  	v0 =	vadd.f32 v9, v0;
	v4 =	vld [tilespmem:s16+$0x210];
	[tilespmem:s13+$0x19250] =	vst v3  }
0x57: {  	v6 =	vand.u32 $0xFFFF0000, v13;
	v3 =	vld [tilespmem:s16+$0x250];
	[tilespmem:s13+$0x12E60] =	vst v1;
	v1 =	vand.u32 $0xFFFF0000, v2  }
0x58: {  	v8 =	vld [tilespmem:s16+$0xCA20];
	v6 =	vadd.f32 v6, v1;
	[tilespmem:s13+$0x12E70] =	vst v0;
	v0 =	vshll.u32 v2, $0x10;
	v2 =	vshll.u32 v13, $0x10  }
0x59: {  	v10 =	vshll.u32 v11, $0x10;
	v13 =	vshll.u32 v12, $0x10;
	v2 =	vadd.f32 v2, v0  }
0x5a: {  	v11 =	vand.u32 $0xFFFF0000, v11;
	v12 =	vand.u32 $0xFFFF0000, v12;
	[tilespmem:s16+$0x19270] =	vst v6;
	v6 =	vadd.f32 v13, v10  }
0x5b: {  	v12 =	vadd.f32 v12, v11;
	[tilespmem:s16+$0x19260] =	vst v2;
	v2 =	vshll.u32 v7, $0x10;
	v14 =	vshll.u32 v4, $0x10  }
0x5c: {  	v9 =	vld [tilespmem:s16+$0x220];
	v4 =	vand.u32 $0xFFFF0000, v4;
	[tilespmem:s16+$0x12E00] =	vst v6;
	v6 =	vand.u32 $0xFFFF0000, v7;
	v2 =	vadd.f32 v2, v10  }
0x5d: {  	v13 =	vld [tilespmem:s16+$0x260];
	[tilespmem:s16+$0x12E10] =	vst v12;
	v10 =	vshll.u32 v5, $0x10;
	v5 =	vand.u32 $0xFFFF0000, v5;
	v6 =	vadd.f32 v6, v11  }
0x5e: {  	v4 =	vadd.f32 v4, v5;
	[tilespmem:s16+$0x19200] =	vst v2  }
0x5f: {  	v11 =	vshll.u32 v3, $0x10;
	v3 =	vand.u32 $0xFFFF0000, v3;
	v2 =	vadd.f32 v14, v10;
	[tilespmem:s16+$0x19210] =	vst v6  }
0x60: {  	v7 =	vld [tilespmem:s16+$0x230];
	v3 =	vadd.f32 v3, v5;
	[tilespmem:s16+$0x12E30] =	vst v4  }
0x61: {  	v5 =	vand.u32 $0xFFFF0000, v9;
	v4 =	vand.u32 $0xFFFF0000, v8;
	[tilespmem:s16+$0x12E20] =	vst v2;
	v2 =	vadd.f32 v11, v10  }
0x62: {  	v5 =	vadd.f32 v5, v4;
	[tilespmem:s16+$0x19230] =	vst v3;
	v3 =	vand.u32 $0xFFFF0000, v13  }
0x63: {  	v6 =	vshll.u32 v8, $0x10;
	v10 =	vshll.u32 v9, $0x10;
	v3 =	vadd.f32 v3, v4;
	[tilespmem:s16+$0x19220] =	vst v2  }
0x64: {  	v8 =	vshll.u32 v13, $0x10;
	v2 =	vadd.f32 v10, v6;
	[tilespmem:s16+$0x12E50] =	vst v5  }
0x65: {  	v4 =	vand.u32 $0xFFFF0000, v7;
	v6 =	vadd.f32 v8, v6;
	[tilespmem:s16+$0x19250] =	vst v3  }
0x66: {  	v1 =	vadd.f32 v4, v1;
	[tilespmem:s16+$0x12E40] =	vst v2;
	v2 =	vshll.u32 v7, $0x10  }
0x67: {  	[tilespmem:s16+$0x19240] =	vst v6;
	v0 =	vadd.f32 v2, v0  }
0x68: {  	s1 =	sshll.u32 s1, $0x4;
	[tilespmem:s16+$0x12E70] =	vst v1  }
0x69: {  	s0 =	sor.u32 $0x1, s0;
	s18 =	sadd.s32 s2, s1;
	[tilespmem:s16+$0x12E60] =	vst v0  }
0x6a: {  	[hbm4b:s18+s4] =	stream.linear.scatter [tilespmem:s24], [sflag:$0x3], $0x6400, $0x38;
	[tilespmem:$0x1F600] =	vst v63  }
0x6b: {  	s1 =	sadd.s32 s3, s1;
	p0 =	sgt.u32 s0, $0x1E  }
0x6c: {  	[hbm4b:s1+s4] =	stream.linear.scatter [tilespmem:s25], [sflag:$0x3], $0x6400, $0x38;
	[tilespmem:$0x1F600] =	vst v63  }
0x6d: {  	s1 =	sadd.s32 @!p0 s31, s11  }
0x6e: {  	s1 =	sshrl.u32 @!p0 s1, $0x3  }
0x6f: {  	s13 =	simm.s32 @!p0 $0x0;
	s1 =	sadd.s32 @!p0 s8, s1  }
0x70: {  	[tilespmem:s13], [sflag:$0x4] =	stream.linear.gather @!p0 [hbm4b:s1+s13], $0xC8, $0x38;
	[tilespmem:$0x1F600] =	vst v63  }
0x71: {  	s1 =	simm.s32 @!p0 $0x4  }
0x72: {  	_ =	swait.ge @!p0 [sflag:s1], $0xC8  }
0x73: {  	[sflag:s1] =	ssyncset.done @!p0 $0x0  }
0x74: {  	s16 =	simm.s32 @!p0 $0x200;
	[sflag:s1] =	ssyncadd.s32 @!p0 $0xFFFFFF38;
	s1 =	simm.s32 @!p0 $0x68  }
0x75: {  	[tilespmem:s16], [sflag:$0x1] =	stream.indirect.gather @!p0 [hbm4b:s6+s1], $0x80, s13, s1, $0xb8;
	[tilespmem:$0x1F600] =	vst v63  }
0x76: {  	s13 =	simm.s32 @!p0 $0x60;
	s16 =	simm.s32 @!p0 $0x3600  }
0x77: {  	[tilespmem:s16], [sflag:$0x1] =	stream.indirect.gather @!p0 [hbm4b:s6+s13], $0x80, s1, s13, $0xb8;
	[tilespmem:$0x1F600] =	vst v63  }
0x78: {  	_ =	swait.ge [sflag:s26], $0x6400  }
0x79: {  	[sflag:s26] =	ssyncset.done $0x0  }
0x7a: {  	[sflag:s26] =	ssyncadd.s32 $0xFFFF9C00  }
0x7b: {  	_ =	swait.ge [sflag:s28], $0x6400  }
0x7c: {  	[sflag:s28] =	ssyncset.done $0x0  }
0x7d: {  	[sflag:s28] =	ssyncadd.s32 $0xFFFF9C00  }
0x7e: {  	_ =	swait.ge [sflag:s28], $0x6400  }
0x7f: {  	[sflag:s28] =	ssyncset.done $0x0  }
0x80: {  	s1 =	simm.s32 $0x0;
	[sflag:s28] =	ssyncadd.s32 $0xFFFF9C00  }
0x81: {  	v1 =	vld [tilespmem:s1+$0xCA30]  }
0x82: {  	v2 =	vld [tilespmem:s1+$0x6670]  }
0x83: {  	v3 =	vld [tilespmem:s1+$0xCA00]  }
0x84: {  	v4 =	vld [tilespmem:s1+$0x6600]  }
0x85: {  	v5 =	vld [tilespmem:s1+$0x6640]  }
0x86: {  	v9 =	vld [tilespmem:s1+$0x6650]  }
0x87: {  	v6 =	vld [tilespmem:s1+$0xCA10];
	v0 =	vand.u32 $0xFFFF0000, v1  }
0x88: {  	v10 =	vld [tilespmem:s1+$0xCA20];
	v8 =	vand.u32 $0xFFFF0000, v2;
	v1 =	vshll.u32 v1, $0x10;
	v2 =	vshll.u32 v2, $0x10  }
0x89: {  	v7 =	vld [tilespmem:s1+$0x6610];
	v12 =	vshll.u32 v3, $0x10;
	v13 =	vshll.u32 v4, $0x10;
	v8 =	vadd.f32 v8, v0  }
0x8a: {  	v3 =	vand.u32 $0xFFFF0000, v3;
	v4 =	vand.u32 $0xFFFF0000, v4;
	v2 =	vadd.f32 v2, v1  }
0x8b: {  	v11 =	vld [tilespmem:s1+$0x6620];
	v15 =	vshll.u32 v9, $0x10;
	v9 =	vand.u32 $0xFFFF0000, v9;
	v4 =	vadd.f32 v4, v3;
	[tilespmem:s1+$0x19270] =	vst v8  }
0x8c: {  	v14 =	vld [tilespmem:s1+$0x6630];
	v8 =	vadd.f32 v13, v12;
	[tilespmem:s1+$0x19260] =	vst v2;
	v2 =	vshll.u32 v5, $0x10;
	v5 =	vand.u32 $0xFFFF0000, v5  }
0x8d: {  	v13 =	vld [tilespmem:s1+$0x6660];
	[tilespmem:s1+$0x12E10] =	vst v4;
	v4 =	vshll.u32 v10, $0x10;
	v2 =	vadd.f32 v2, v12;
	v12 =	vand.u32 $0xFFFF0000, v6  }
0x8e: {  	v5 =	vadd.f32 v5, v3;
	[tilespmem:s1+$0x12E00] =	vst v8;
	v8 =	vshll.u32 v6, $0x10;
	v6 =	vshll.u32 v7, $0x10  }
0x8f: {  	v3 =	vand.u32 $0xFFFF0000, v10;
	v7 =	vand.u32 $0xFFFF0000, v7;
	[tilespmem:s1+$0x19200] =	vst v2;
	v2 =	vadd.f32 v6, v8  }
0x90: {  	s0 =	smul.u32 $0xC8, s0;
	[tilespmem:s1+$0x19210] =	vst v5;
	v10 =	vadd.f32 v7, v12;
	v7 =	vshll.u32 v11, $0x10;
	v5 =	vand.u32 $0xFFFF0000, v11  }
0x91: {  	s13 =	simm.s32 $0x80;
	v11 =	vadd.f32 v15, v8;
	v12 =	vadd.f32 v9, v12;
	v9 =	vand.u32 $0xFFFF0000, v14;
	[tilespmem:s1+$0x12E20] =	vst v2  }
0x92: {  	s0 =	sadd.s32 s5, s0;
	s16 =	simm.s32 $0x400;
	v8 =	vshll.u32 v13, $0x10;
	v6 =	vand.u32 $0xFFFF0000, v13;
	v2 =	vld [tilespmem:s13+$0xCA30];
	[tilespmem:s1+$0x12E30] =	vst v10;
	v10 =	vshll.u32 v14, $0x10  }
.LBB2_5:
0x93: {  	p0 =	sne.s32 s16, $0x18E00;
	v13 =	vld [tilespmem:s13+$0x6670];
	[tilespmem:s1+$0x19220] =	vst v11;
	v7 =	vadd.f32 v7, v4;
	v5 =	vadd.f32 v5, v3  }
0x94: {  	v4 =	vadd.f32 v8, v4;
	v3 =	vadd.f32 v6, v3;
	v11 =	vld [tilespmem:s13+$0xCA00];
	[tilespmem:s1+$0x19230] =	vst v12  }
0x95: {  	v8 =	vadd.f32 v9, v0;
	v6 =	vld [tilespmem:s13+$0x6600];
	[tilespmem:s1+$0x12E40] =	vst v7;
	v7 =	vadd.f32 v10, v1  }
0x96: {  	v9 =	vld [tilespmem:s13+$0x6640];
	[tilespmem:s1+$0x12E50] =	vst v5  }
0x97: {  	v5 =	vld [tilespmem:s13+$0xCA10];
	v1 =	vshll.u32 v2, $0x10;
	[tilespmem:s1+$0x19240] =	vst v4  }
0x98: {  	v0 =	vand.u32 $0xFFFF0000, v2;
	v4 =	vld [tilespmem:s13+$0x6610];
	v2 =	vshll.u32 v13, $0x10;
	v10 =	vand.u32 $0xFFFF0000, v13;
	[tilespmem:s1+$0x19250] =	vst v3  }
0x99: {  	v3 =	vshll.u32 v11, $0x10;
	v11 =	vand.u32 $0xFFFF0000, v11;
	v12 =	vld [tilespmem:s13+$0x6650];
	v10 =	vadd.f32 v10, v0;
	[tilespmem:s1+$0x12E60] =	vst v7  }
0x9a: {  	v2 =	vadd.f32 v2, v1;
	v7 =	vshll.u32 v6, $0x10;
	v6 =	vand.u32 $0xFFFF0000, v6;
	v13 =	vld [tilespmem:s13+$0xCA20];
	[tilespmem:s1+$0x12E70] =	vst v8;
	s1 =	smov.u32 s13  }
0x9b: {  	v8 =	vshll.u32 v9, $0x10;
	v9 =	vand.u32 $0xFFFF0000, v9;
	v7 =	vadd.f32 v7, v3;
	v14 =	vld [tilespmem:s1+$0x6620];
	[tilespmem:s1+$0x19270] =	vst v10  }
0x9c: {  	v6 =	vadd.f32 v6, v11;
	v10 =	vshll.u32 v5, $0x10;
	v15 =	vand.u32 $0xFFFF0000, v5;
	v16 =	vld [tilespmem:s1+$0x6660];
	[tilespmem:s1+$0x19260] =	vst v2  }
0x9d: {  	v2 =	vadd.f32 v8, v3;
	[tilespmem:s1+$0x12E00] =	vst v7;
	v3 =	vshll.u32 v4, $0x10;
	v5 =	vand.u32 $0xFFFF0000, v4;
	v17 =	vld [tilespmem:s1+$0x6630]  }
.Ltmp1:
0x9e: {  	[tilespmem:s1+$0x12E10] =	vst v6;
	v6 =	vadd.f32 v9, v11;
	v8 =	vshll.u32 v12, $0x10;
	v9 =	vand.u32 $0xFFFF0000, v12;
	(pc) =	sbr.rel @p0 .LBB2_5-.Ltmp1, $4  }
0x9f: {  	[tilespmem:s1+$0x19200] =	vst v2;
	v2 =	vadd.f32 v3, v10;
	v4 =	vshll.u32 v13, $0x10;
	v3 =	vand.u32 $0xFFFF0000, v13  }
0xa0: {  	v12 =	vadd.f32 v5, v15;
	[tilespmem:s1+$0x19210] =	vst v6;
	v7 =	vshll.u32 v14, $0x10;
	v5 =	vand.u32 $0xFFFF0000, v14  }
0xa1: {  	s13 =	sshra.s32 s16, $0x2;
	v11 =	vadd.f32 v8, v10;
	[tilespmem:s1+$0x12E20] =	vst v2;
	v8 =	vshll.u32 v16, $0x10;
	v6 =	vand.u32 $0xFFFF0000, v16  }
0xa2: {  	s16 =	sadd.s32 $0x200, s16;
	v2 =	vld [tilespmem:s13+$0xCA30];
	[tilespmem:s1+$0x12E30] =	vst v12;
	v12 =	vadd.f32 v9, v15;
	v10 =	vshll.u32 v17, $0x10;
	v9 =	vand.u32 $0xFFFF0000, v17  }
0xa3: {  	v13 =	vld [tilespmem:s13+$0x6670];
	[tilespmem:s1+$0x19220] =	vst v11;
	v7 =	vadd.f32 v7, v4  }
0xa4: {  	v5 =	vadd.f32 v5, v3;
	v11 =	vld [tilespmem:s13+$0xCA00];
	[tilespmem:s1+$0x19230] =	vst v12  }
0xa5: {  	v36 =	vadd.f32 v8, v4;
	v12 =	vld [tilespmem:s13+$0x6600];
	[tilespmem:s1+$0x12E40] =	vst v7  }
0xa6: {  	v37 =	vadd.f32 v6, v3;
	v7 =	vld [tilespmem:s13+$0x6640];
	[tilespmem:s1+$0x12E50] =	vst v5  }
0xa7: {  	v1 =	vadd.f32 v10, v1;
	v5 =	vld [tilespmem:s13+$0xCA10];
	[tilespmem:s1+$0x19240] =	vst v36  }
0xa8: {  	v0 =	vadd.f32 v9, v0;
	v38 =	vand.u32 $0xFFFF0000, v2;
	v4 =	vld [tilespmem:s13+$0x6610];
	[tilespmem:s1+$0x19250] =	vst v37;
	v39 =	vand.u32 $0xFFFF0000, v13  }
0xa9: {  	v41 =	vshll.u32 v2, $0x10;
	v42 =	vshll.u32 v13, $0x10;
	v3 =	vld [tilespmem:s13+$0x6650];
	[tilespmem:s1+$0x12E60] =	vst v1;
	v6 =	vadd.f32 v39, v38  }
0xaa: {  	v44 =	vshll.u32 v11, $0x10;
	v2 =	vadd.f32 v42, v41;
	v40 =	vld [tilespmem:s13+$0xCA20];
	[tilespmem:s1+$0x12E70] =	vst v0;
	v45 =	vshll.u32 v12, $0x10  }
0xab: {  	v11 =	vand.u32 $0xFFFF0000, v11;
	v12 =	vand.u32 $0xFFFF0000, v12;
	[tilespmem:s13+$0x19270] =	vst v6;
	v46 =	vadd.f32 v45, v44  }
0xac: {  	[tilespmem:s13+$0x19260] =	vst v2;
	v48 =	vshll.u32 v7, $0x10;
	v12 =	vadd.f32 v12, v11  }
0xad: {  	v43 =	vld [tilespmem:s13+$0x6620];
	v49 =	vand.u32 $0xFFFF0000, v7;
	v2 =	vadd.f32 v48, v44;
	[tilespmem:s13+$0x12E00] =	vst v46  }
0xae: {  	v51 =	vshll.u32 v5, $0x10;
	v6 =	vadd.f32 v49, v11;
	v14 =	vshll.u32 v4, $0x10;
	[tilespmem:s13+$0x12E10] =	vst v12  }
0xaf: {  	v47 =	vld [tilespmem:s13+$0x6660];
	v5 =	vand.u32 $0xFFFF0000, v5;
	v4 =	vand.u32 $0xFFFF0000, v4;
	[tilespmem:s13+$0x19200] =	vst v2;
	v52 =	vadd.f32 v14, v51  }
0xb0: {  	v53 =	vshll.u32 v3, $0x10;
	[tilespmem:s13+$0x19210] =	vst v6;
	v4 =	vadd.f32 v4, v5  }
0xb1: {  	v50 =	vld [tilespmem:s13+$0x6630];
	v3 =	vand.u32 $0xFFFF0000, v3;
	v54 =	vadd.f32 v53, v51;
	[tilespmem:s13+$0x12E20] =	vst v52  }
0xb2: {  	v55 =	vshll.u32 v40, $0x10;
	v3 =	vadd.f32 v3, v5;
	v56 =	vshll.u32 v43, $0x10;
	[tilespmem:s13+$0x12E30] =	vst v4  }
0xb3: {  	v57 =	vand.u32 $0xFFFF0000, v40;
	v58 =	vand.u32 $0xFFFF0000, v43;
	[tilespmem:s13+$0x19220] =	vst v54;
	v59 =	vadd.f32 v56, v55  }
0xb4: {  	v60 =	vshll.u32 v47, $0x10;
	v5 =	vadd.f32 v58, v57;
	[tilespmem:s13+$0x19230] =	vst v3  }
0xb5: {  	v61 =	vand.u32 $0xFFFF0000, v47;
	v6 =	vadd.f32 v60, v55;
	[tilespmem:s13+$0x12E40] =	vst v59  }
0xb6: {  	v62 =	vshll.u32 v50, $0x10;
	v3 =	vadd.f32 v61, v57;
	[tilespmem:s13+$0x12E50] =	vst v5  }
0xb7: {  	s30 =	sadd.s32 $0x1, s30;
	v63 =	vand.u32 $0xFFFF0000, v50;
	v0 =	vadd.f32 v62, v41;
	[tilespmem:s13+$0x19240] =	vst v6  }
0xb8: {  	p0 =	sne.s32 s30, $0x10;
	v1 =	vadd.f32 v63, v38;
	[tilespmem:s13+$0x19250] =	vst v3  }
.Ltmp2:
0xb9: {  	s0 =	sshll.u32 s0, $0x4;
	[tilespmem:s13+$0x12E60] =	vst v0;
	(pc) =	sbr.rel @p0 .LBB2_2-.Ltmp2, $4  }
0xba: {  	s31 =	sadd.s32 s2, s0;
	[tilespmem:s13+$0x12E70] =	vst v1  }
0xbb: {  	[hbm4b:s31+s4] =	stream.linear.scatter [tilespmem:s24], [sflag:$0x3], $0x6400, $0x38;
	[tilespmem:$0x1F600] =	vst v63  }
0xbc: {  	s0 =	sadd.s32 s3, s0  }
0xbd: {  	[hbm4b:s0+s4] =	stream.linear.scatter [tilespmem:s25], [sflag:$0x3], $0x6400, $0x38;
	[tilespmem:$0x1F600] =	vst v63  }
0xbe: {  	s29 =	sadd.s32 $0x1, s29  }
0xbf: {  	_ =	swait.ge [sflag:s28], $0x6400;
	p0 =	sne.s32 s29, s12  }
.Ltmp3:
0xc0: {  	[sflag:s28] =	ssyncset.done $0x0;
	(pc) =	sbr.rel @p0 .LBB2_1-.Ltmp3, $4  }
0xc1: {  	[sflag:s28] =	ssyncadd.s32 $0xFFFF9C00  }
0xc2: {  	_ =	swait.ge [sflag:s28], $0x6400  }
0xc3: {  	[sflag:s28] =	ssyncset.done $0x0  }
0xc4: {  	[sflag:s28] =	ssyncadd.s32 $0xFFFF9C00  }
0xc5: {  	_ =	sfence.sel $0x180000  }
0xc6: {  	[bflag:$0x0] =	sbarrier.arrive $0xFFFF  }
0xc7: {  	_ =	strace $0x90000047  }
0xc8: {  	s0 =	stileid.u32;
	[bflag:$0x2] =	sbarrier.arrive $0xFFFF  }
0xc9: {  	p0 =	sne.s32 s0, $0x0;
	s0 =	rddreg [dreg:$0x3]  }
0xca: {  	s0 =	sadd.s32 @!p0 $0x100000, s0  }
0xcb: {  	[sflag:s0] =	ssyncadd.tile.s32 @!p0 $0x1;
	_ =	shalt  }
.Lfunc_end2:
_tile_overlayer_lowered:
.L_overlay_start_2:
0xcc: {  	(tag) =	ssettag $0x2  }
0xcd: {  	s0 =	rddreg [dreg:$0x0];
	s2 =	stileid.u32  }
0xce: {  	s1 =	rddreg [dreg:$0x1];
	p0 =	sne.s32 s2, $0x0  }
0xcf: {  	s3 =	rddreg [dreg:$0x2];
	[bflag:$0x3] =	sbarrier.arrive $0xFFFF;
	s2 =	simm.s32 @!p0 $0x1C04  }
0xd0: {  	[timem:s3], [sflag:s2] =	dma.local @!p0 [hbm:s0], s1  }
0xd1: {  	s0 =	simm.s32 @!p0 $0x4  }
0xd2: {  	_ =	swait.ge @!p0 [sflag:s0], s1  }
0xd3: {  	s1 =	ssub.s32 @!p0 $0x0, s1;
	[sflag:s0] =	ssyncset.done @!p0 $0x0  }
0xd4: {  	[sflag:s0] =	ssyncadd.s32 @!p0 s1  }
0xd5: {  	[bflag:$0x3] =	sbarrier.arrive $0xFFFF  }
0xd6: {  	_ =	shalt  }

</sc_bundles>
